<compile_context>
chip_gen: v7x
topology: tpu7x:2x2x1
jax: 0.10.2.dev20260603
libtpu: 0.0.44.dev20260713+nightly
codegen_flags: <defaults>
</compile_context>

<pallas_src>
import functools

import jax
import jax.numpy as jnp
from jax import lax
from jax.experimental import pallas as pl
from jax.experimental.pallas import tpu as pltpu
from jax.experimental.pallas import tpu_sc as plsc

N_NODES = 10000
N_PAD = 10240
E_EDGES = 320000
CHUNK = 128
NW = 32
NUM_CHUNKS = E_EDGES // CHUNK
HID = 64
ROWS_PER_TILE = N_PAD // 16


def _sc_segment_sum(with_cnt):
  mesh = plsc.VectorSubcoreMesh(core_axis_name="c", subcore_axis_name="s")
  out_type = [jax.ShapeDtypeStruct((2, N_PAD, HID), jnp.float32)]
  scratch = [
      pltpu.VMEM((CHUNK,), jnp.int32),
      pltpu.VMEM((CHUNK,), jnp.int32),
      pltpu.VMEM((CHUNK, HID), jnp.float32),
      pltpu.VMEM_SHARED((N_PAD, HID), jnp.float32),
      pltpu.SemaphoreType.DMA,
  ]
  if with_cnt:
    out_type.append(jax.ShapeDtypeStruct((2, N_PAD, 16), jnp.float32))
    scratch += [
        pltpu.VMEM((CHUNK, 16), jnp.float32),
        pltpu.VMEM_SHARED((N_PAD, 16), jnp.float32),
    ]

  def body(*refs):
    if with_cnt:
      (y_hbm, src_hbm, dst_hbm, zrow_hbm, z16_hbm, ones_hbm,
       p_hbm, c_hbm,
       sidx, didx, rows, acc, sem, ones_v, cacc) = refs
    else:
      (y_hbm, src_hbm, dst_hbm, zrow_hbm,
       p_hbm,
       sidx, didx, rows, acc, sem) = refs

    cid = lax.axis_index("c")
    sid = lax.axis_index("s")
    wid = sid * 2 + cid

    for j in range(ROWS_PER_TILE // CHUNK):
      base = (sid * (ROWS_PER_TILE // CHUNK) + j) * CHUNK
      pltpu.sync_copy(zrow_hbm, acc.at[pl.ds(base, CHUNK)])
      if with_cnt:
        pltpu.sync_copy(z16_hbm, cacc.at[pl.ds(base, CHUNK)])
    if with_cnt:
      pltpu.sync_copy(ones_hbm, ones_v)
    plsc.subcore_barrier()

    nfull = NUM_CHUNKS // NW
    nrem = NUM_CHUNKS - nfull * NW
    trips = jnp.where(wid < nrem, nfull + 1, nfull)

    def step(k, carry):
      ebase = (wid + k * NW) * CHUNK
      pltpu.sync_copy(src_hbm.at[pl.ds(ebase, CHUNK)], sidx)
      pltpu.sync_copy(dst_hbm.at[pl.ds(ebase, CHUNK)], didx)
      pltpu.async_copy(y_hbm.at[sidx], rows, sem).wait()
      pltpu.sync_copy(rows, acc.at[didx], add=True)
      if with_cnt:
        pltpu.sync_copy(ones_v, cacc.at[didx], add=True)
      return carry

    lax.fori_loop(0, trips, step, 0)
    plsc.subcore_barrier()

    rbase = sid * ROWS_PER_TILE
    pltpu.sync_copy(acc.at[pl.ds(rbase, ROWS_PER_TILE)],
                    p_hbm.at[cid, pl.ds(rbase, ROWS_PER_TILE)])
    if with_cnt:
      pltpu.sync_copy(cacc.at[pl.ds(rbase, ROWS_PER_TILE)],
                      c_hbm.at[cid, pl.ds(rbase, ROWS_PER_TILE)])

  return pl.kernel(body, out_type=tuple(out_type), mesh=mesh,
                   scratch_types=tuple(scratch),
                   compiler_params=pltpu.CompilerParams(
                       use_tc_tiling_on_sc=False))


_seg_sum_cnt = _sc_segment_sum(with_cnt=True)
_seg_sum = _sc_segment_sum(with_cnt=False)


def _dot(a, b):
  return jnp.dot(a, b, preferred_element_type=jnp.float32)


def _tc0_body(x_ref, wl_ref, wr_ref, bl_ref, y_ref, r_ref):
  x = x_ref[...]
  y_ref[...] = _dot(x, wl_ref[...])
  r_ref[...] = _dot(x, wr_ref[...]) + bl_ref[...]


def _combine(p_ref, c_ref, r_ref, g_ref, b_ref):
  agg = p_ref[0, :N_NODES, :] + p_ref[1, :N_NODES, :]
  cnt = c_ref[0, :N_NODES, 0:1] + c_ref[1, :N_NODES, 0:1]
  pre = agg / jnp.maximum(cnt, 1.0) + r_ref[...]
  mu = jnp.mean(pre, axis=0, keepdims=True)
  var = jnp.mean((pre - mu) * (pre - mu), axis=0, keepdims=True)
  h = g_ref[...] * (pre - mu) / jnp.sqrt(var + 1e-5) + b_ref[...]
  return jnp.maximum(h, 0.0)


def _tc1_body(p_ref, c_ref, r_ref, g_ref, b_ref, wl_ref, wr_ref, bl_ref,
              x1_ref, y_ref, r2_ref):
  h = _combine(p_ref, c_ref, r_ref, g_ref, b_ref)
  x1_ref[...] = h
  y_ref[...] = _dot(h, wl_ref[...])
  r2_ref[...] = _dot(h, wr_ref[...]) + bl_ref[...]


def _tc2_body(p_ref, c_ref, r_ref, x1_ref, g_ref, b_ref, wl_ref, wr_ref,
              bl_ref, y_ref, r2_ref):
  h = _combine(p_ref, c_ref, r_ref, g_ref, b_ref)
  x2 = x1_ref[...] + 0.3 * h
  y_ref[...] = _dot(x2, wl_ref[...])
  r2_ref[...] = _dot(x2, wr_ref[...]) + bl_ref[...]


def _tc3_body(p_ref, c_ref, r_ref, g_ref, b_ref, out_ref):
  out_ref[...] = _combine(p_ref, c_ref, r_ref, g_ref, b_ref)


_f32 = jnp.float32


def _tc_call(body, out_shapes, *args):
  return pl.pallas_call(
      body,
      out_shape=[jax.ShapeDtypeStruct(s, _f32) for s in out_shapes],
  )(*args)


@jax.jit
def kernel(x, edge_index, W_l0, b_l0, W_r0, bn_g0, bn_b0, W_l1, b_l1, W_r1,
           bn_g1, bn_b1, W_l2, b_l2, W_r2, bn_g2, bn_b2):
  src = edge_index[0]
  dst = edge_index[1]
  zrow = jnp.zeros((CHUNK, HID), _f32)
  z16 = jnp.zeros((CHUNK, 16), _f32)
  ones16 = jnp.zeros((CHUNK, 16), _f32).at[:, 0].set(1.0)

  y0, r0 = _tc_call(_tc0_body, [(N_NODES, HID), (N_NODES, HID)],
                    x, W_l0, W_r0, b_l0.reshape(1, HID))
  p0, c0 = _seg_sum_cnt(y0, src, dst, zrow, z16, ones16)
  x1, y1, r1 = _tc_call(
      _tc1_body, [(N_NODES, HID), (N_NODES, HID), (N_NODES, HID)],
      p0, c0, r0, bn_g0.reshape(1, HID), bn_b0.reshape(1, HID),
      W_l1, W_r1, b_l1.reshape(1, HID))
  (p1,) = _seg_sum(y1, src, dst, zrow)
  y2, r2 = _tc_call(
      _tc2_body, [(N_NODES, HID), (N_NODES, HID)],
      p1, c0, r1, x1, bn_g1.reshape(1, HID), bn_b1.reshape(1, HID),
      W_l2, W_r2, b_l2.reshape(1, HID))
  (p2,) = _seg_sum(y2, src, dst, zrow)
  (out,) = _tc_call(
      _tc3_body, [(N_NODES, HID)],
      p2, c0, r2, bn_g2.reshape(1, HID), bn_b2.reshape(1, HID))
  return out

# --- scband reference (transcript-rebuilt; emitter-appended) ---
"""Pipeline reference for scband-gnnbackbone-32401233281337 (READ-ONLY COPY).

The authoritative reference and input builder live on the scoring server;
editing this copy changes nothing except your own understanding.
"""

import jax, jax.numpy as jnp
import numpy as np

N = 10000
E = 320000
D_IN = 128
H = 64

def _sage(x, src, dst, Wl, bl, Wr):
    # PyG SAGEConv(aggr='mean'): out = lin_l(mean_j x_j) + lin_r(x_i)
    msgs = jnp.take(x, src, axis=0)
    agg = jax.ops.segment_sum(msgs, dst, num_segments=N)
    cnt = jax.ops.segment_sum(jnp.ones((src.shape[0],), x.dtype), dst, num_segments=N)
    agg = agg / jnp.maximum(cnt, 1.0)[:, None]
    return agg @ Wl + bl + x @ Wr

def _bn_relu(h, g, b):
    # BatchNorm1d with batch statistics (training-mode forward), then ReLU
    mu = jnp.mean(h, axis=0)
    var = jnp.var(h, axis=0)
    h = g * (h - mu) / jnp.sqrt(var + 1e-5) + b
    return jax.nn.relu(h)

def setup_inputs(seed: int = 0):
    key = jax.random.key(seed)
    ks = jax.random.split(key, 18)
    inp = {}
    inp['x'] = jax.random.normal(ks[0], (N, D_IN), dtype=jnp.float32)
    inp['edge_index'] = jax.random.randint(ks[1], (2, E), 0, N, dtype=jnp.int32)
    dims = [D_IN, H, H]
    k = 2
    for i, d in enumerate(dims):
        s = float(1.0 / np.sqrt(d))
        inp['W_l%d' % i] = jax.random.uniform(ks[k], (d, H), jnp.float32, -s, s); k += 1
        inp['b_l%d' % i] = jnp.zeros((H,), jnp.float32)
        inp['W_r%d' % i] = jax.random.uniform(ks[k], (d, H), jnp.float32, -s, s); k += 1
        inp['bn_g%d' % i] = jnp.ones((H,), jnp.float32)
        inp['bn_b%d' % i] = jnp.zeros((H,), jnp.float32)
    return inp

def reference(x, edge_index, W_l0, b_l0, W_r0, bn_g0, bn_b0, W_l1, b_l1, W_r1, bn_g1, bn_b1, W_l2, b_l2, W_r2, bn_g2, bn_b2):
    src = edge_index[0]
    dst = edge_index[1]
    # layer 0 (no residual: input dim 128 != hidden 64)
    h = _bn_relu(_sage(x, src, dst, W_l0, b_l0, W_r0), bn_g0, bn_b0)
    x1 = h
    # layer 1 (middle layer: residual x = x + 0.3*h since shapes match)
    h = _bn_relu(_sage(x1, src, dst, W_l1, b_l1, W_r1), bn_g1, bn_b1)
    x2 = x1 + 0.3 * h
    # layer 2 (last layer: no residual)
    h = _bn_relu(_sage(x2, src, dst, W_l2, b_l2, W_r2), bn_g2, bn_b2)
    return h

if __name__ == "__main__":
    import jax
    _d = setup_inputs()
    print(jax.jit(kernel)(*tuple(_d.values())))

</pallas_src>

<mosaic_0001>
#map = affine_map<(d0, d1) -> (0, 0)>
#map1 = affine_map<(d0, d1) -> (0)>
#map2 = affine_map<(d0, d1) -> (0, 0, 0)>
module attributes {stable_mosaic.version = 14 : i64} {
  func.func @body(%arg0: i32, %arg1: i32, %arg2: memref<10000x64xf32, #tpu.memory_space<hbm>>, %arg3: memref<320000xi32, #tpu.memory_space<hbm>>, %arg4: memref<320000xi32, #tpu.memory_space<hbm>>, %arg5: memref<128x64xf32, #tpu.memory_space<hbm>>, %arg6: memref<2x10240x64xf32, #tpu.memory_space<hbm>>, %arg7: memref<128xi32, #tpu.memory_space<vmem>>, %arg8: memref<128xi32, #tpu.memory_space<vmem>>, %arg9: memref<128x64xf32, #tpu.memory_space<vmem>>, %arg10: memref<10240x64xf32, #tpu.memory_space<vmem_shared>>, %arg11: memref<!tpu.dma_semaphore, #tpu.memory_space<semaphore_mem>>) attributes {dimension_semantics = [#tpu.dimension_semantics<core_parallel>, #tpu.dimension_semantics<subcore_parallel>], iteration_bounds = array<i64: 2, 16>, scalar_prefetch = 0 : i64, scratch_operands = 5 : i64, tpu.core_type = #tpu.core_type<sc_vector_subcore>, window_params = [{transform_indices = #map}, {transform_indices = #map1}, {transform_indices = #map1}, {transform_indices = #map}, {transform_indices = #map2}]} {
    %mul3A = arith.constant 2 : i32
    %mul3A_0 = arith.muli %arg1, %mul3A : i32
    %add3A = arith.addi %mul3A_0, %arg0 : i32
    %mul3A_1 = arith.constant 5 : i32
    %mul3A_2 = arith.muli %arg1, %mul3A_1 : i32
    %add3A_3 = arith.constant 0 : i32
    %add3A_4 = arith.addi %mul3A_2, %add3A_3 : i32
    %mul3A_5 = arith.constant 128 : i32
    %mul3A_6 = arith.muli %add3A_4, %mul3A_5 : i32
    "tpu.region"() ({
      %run_scoped3A = tpu.sem_alloc : memref<!tpu.dma_semaphore, #tpu.memory_space<semaphore_mem>>
      %dma_start3A = arith.constant 0 : i32
      %dma_start3A_45 = tpu.memref_slice %arg10[%mul3A_6, %dma_start3A] : memref<10240x64xf32, #tpu.memory_space<vmem_shared>> -> memref<128x64xf32, #tpu.memory_space<vmem_shared>>
      tpu.enqueue_dma source(%arg5 : memref<128x64xf32, #tpu.memory_space<hbm>>) target(%dma_start3A_45 : memref<128x64xf32, #tpu.memory_space<vmem_shared>>) target_semaphore(%run_scoped3A : memref<!tpu.dma_semaphore, #tpu.memory_space<semaphore_mem>>)
      %dma_wait3A = arith.constant 0 : i32
      %dma_wait3A_46 = tpu.memref_slice %arg10[%mul3A_6, %dma_wait3A] : memref<10240x64xf32, #tpu.memory_space<vmem_shared>> -> memref<128x64xf32, #tpu.memory_space<vmem_shared>>
      tpu.wait_dma2 semaphore(%run_scoped3A : memref<!tpu.dma_semaphore, #tpu.memory_space<semaphore_mem>>) src(%arg5 : memref<128x64xf32, #tpu.memory_space<hbm>>) dst(%dma_wait3A_46 : memref<128x64xf32, #tpu.memory_space<vmem_shared>>)
      tpu.yield
    }) : () -> ()
    %mul3A_7 = arith.constant 5 : i32
    %mul3A_8 = arith.muli %arg1, %mul3A_7 : i32
    %add3A_9 = arith.constant 1 : i32
    %add3A_10 = arith.addi %mul3A_8, %add3A_9 : i32
    %mul3A_11 = arith.constant 128 : i32
    %mul3A_12 = arith.muli %add3A_10, %mul3A_11 : i32
    "tpu.region"() ({
      %run_scoped3A = tpu.sem_alloc : memref<!tpu.dma_semaphore, #tpu.memory_space<semaphore_mem>>
      %dma_start3A = arith.constant 0 : i32
      %dma_start3A_45 = tpu.memref_slice %arg10[%mul3A_12, %dma_start3A] : memref<10240x64xf32, #tpu.memory_space<vmem_shared>> -> memref<128x64xf32, #tpu.memory_space<vmem_shared>>
      tpu.enqueue_dma source(%arg5 : memref<128x64xf32, #tpu.memory_space<hbm>>) target(%dma_start3A_45 : memref<128x64xf32, #tpu.memory_space<vmem_shared>>) target_semaphore(%run_scoped3A : memref<!tpu.dma_semaphore, #tpu.memory_space<semaphore_mem>>)
      %dma_wait3A = arith.constant 0 : i32
      %dma_wait3A_46 = tpu.memref_slice %arg10[%mul3A_12, %dma_wait3A] : memref<10240x64xf32, #tpu.memory_space<vmem_shared>> -> memref<128x64xf32, #tpu.memory_space<vmem_shared>>
      tpu.wait_dma2 semaphore(%run_scoped3A : memref<!tpu.dma_semaphore, #tpu.memory_space<semaphore_mem>>) src(%arg5 : memref<128x64xf32, #tpu.memory_space<hbm>>) dst(%dma_wait3A_46 : memref<128x64xf32, #tpu.memory_space<vmem_shared>>)
      tpu.yield
    }) : () -> ()
    %mul3A_13 = arith.constant 5 : i32
    %mul3A_14 = arith.muli %arg1, %mul3A_13 : i32
    %add3A_15 = arith.constant 2 : i32
    %add3A_16 = arith.addi %mul3A_14, %add3A_15 : i32
    %mul3A_17 = arith.constant 128 : i32
    %mul3A_18 = arith.muli %add3A_16, %mul3A_17 : i32
    "tpu.region"() ({
      %run_scoped3A = tpu.sem_alloc : memref<!tpu.dma_semaphore, #tpu.memory_space<semaphore_mem>>
      %dma_start3A = arith.constant 0 : i32
      %dma_start3A_45 = tpu.memref_slice %arg10[%mul3A_18, %dma_start3A] : memref<10240x64xf32, #tpu.memory_space<vmem_shared>> -> memref<128x64xf32, #tpu.memory_space<vmem_shared>>
      tpu.enqueue_dma source(%arg5 : memref<128x64xf32, #tpu.memory_space<hbm>>) target(%dma_start3A_45 : memref<128x64xf32, #tpu.memory_space<vmem_shared>>) target_semaphore(%run_scoped3A : memref<!tpu.dma_semaphore, #tpu.memory_space<semaphore_mem>>)
      %dma_wait3A = arith.constant 0 : i32
      %dma_wait3A_46 = tpu.memref_slice %arg10[%mul3A_18, %dma_wait3A] : memref<10240x64xf32, #tpu.memory_space<vmem_shared>> -> memref<128x64xf32, #tpu.memory_space<vmem_shared>>
      tpu.wait_dma2 semaphore(%run_scoped3A : memref<!tpu.dma_semaphore, #tpu.memory_space<semaphore_mem>>) src(%arg5 : memref<128x64xf32, #tpu.memory_space<hbm>>) dst(%dma_wait3A_46 : memref<128x64xf32, #tpu.memory_space<vmem_shared>>)
      tpu.yield
    }) : () -> ()
    %mul3A_19 = arith.constant 5 : i32
    %mul3A_20 = arith.muli %arg1, %mul3A_19 : i32
    %add3A_21 = arith.constant 3 : i32
    %add3A_22 = arith.addi %mul3A_20, %add3A_21 : i32
    %mul3A_23 = arith.constant 128 : i32
    %mul3A_24 = arith.muli %add3A_22, %mul3A_23 : i32
    "tpu.region"() ({
      %run_scoped3A = tpu.sem_alloc : memref<!tpu.dma_semaphore, #tpu.memory_space<semaphore_mem>>
      %dma_start3A = arith.constant 0 : i32
      %dma_start3A_45 = tpu.memref_slice %arg10[%mul3A_24, %dma_start3A] : memref<10240x64xf32, #tpu.memory_space<vmem_shared>> -> memref<128x64xf32, #tpu.memory_space<vmem_shared>>
      tpu.enqueue_dma source(%arg5 : memref<128x64xf32, #tpu.memory_space<hbm>>) target(%dma_start3A_45 : memref<128x64xf32, #tpu.memory_space<vmem_shared>>) target_semaphore(%run_scoped3A : memref<!tpu.dma_semaphore, #tpu.memory_space<semaphore_mem>>)
      %dma_wait3A = arith.constant 0 : i32
      %dma_wait3A_46 = tpu.memref_slice %arg10[%mul3A_24, %dma_wait3A] : memref<10240x64xf32, #tpu.memory_space<vmem_shared>> -> memref<128x64xf32, #tpu.memory_space<vmem_shared>>
      tpu.wait_dma2 semaphore(%run_scoped3A : memref<!tpu.dma_semaphore, #tpu.memory_space<semaphore_mem>>) src(%arg5 : memref<128x64xf32, #tpu.memory_space<hbm>>) dst(%dma_wait3A_46 : memref<128x64xf32, #tpu.memory_space<vmem_shared>>)
      tpu.yield
    }) : () -> ()
    %mul3A_25 = arith.constant 5 : i32
    %mul3A_26 = arith.muli %arg1, %mul3A_25 : i32
    %add3A_27 = arith.constant 4 : i32
    %add3A_28 = arith.addi %mul3A_26, %add3A_27 : i32
    %mul3A_29 = arith.constant 128 : i32
    %mul3A_30 = arith.muli %add3A_28, %mul3A_29 : i32
    "tpu.region"() ({
      %run_scoped3A = tpu.sem_alloc : memref<!tpu.dma_semaphore, #tpu.memory_space<semaphore_mem>>
      %dma_start3A = arith.constant 0 : i32
      %dma_start3A_45 = tpu.memref_slice %arg10[%mul3A_30, %dma_start3A] : memref<10240x64xf32, #tpu.memory_space<vmem_shared>> -> memref<128x64xf32, #tpu.memory_space<vmem_shared>>
      tpu.enqueue_dma source(%arg5 : memref<128x64xf32, #tpu.memory_space<hbm>>) target(%dma_start3A_45 : memref<128x64xf32, #tpu.memory_space<vmem_shared>>) target_semaphore(%run_scoped3A : memref<!tpu.dma_semaphore, #tpu.memory_space<semaphore_mem>>)
      %dma_wait3A = arith.constant 0 : i32
      %dma_wait3A_46 = tpu.memref_slice %arg10[%mul3A_30, %dma_wait3A] : memref<10240x64xf32, #tpu.memory_space<vmem_shared>> -> memref<128x64xf32, #tpu.memory_space<vmem_shared>>
      tpu.wait_dma2 semaphore(%run_scoped3A : memref<!tpu.dma_semaphore, #tpu.memory_space<semaphore_mem>>) src(%arg5 : memref<128x64xf32, #tpu.memory_space<hbm>>) dst(%dma_wait3A_46 : memref<128x64xf32, #tpu.memory_space<vmem_shared>>)
      tpu.yield
    }) : () -> ()
    %barrier3A = arith.constant 0 : index
    tpu.barrier barrier_id(%barrier3A)
    %lt3A = arith.constant 4 : i32
    %lt3A_31 = arith.cmpi slt, %add3A, %lt3A : i32
    %jit3A = arith.constant 79 : i32
    %jit3A_32 = arith.constant 78 : i32
    %select_n3A = arith.select %lt3A_31, %jit3A, %jit3A_32 : i32
    %while3A = arith.constant 0 : i32
    %while3A_33 = arith.constant 0 : i32
    %while3A_34 = arith.subi %select_n3A, %while3A_33 : i32
    %while3A_35 = arith.addi %while3A_33, %while3A_34 : i32
    %while3A_36 = arith.constant 1 : i32
    %while3A_37 = arith.divsi %while3A_34, %while3A_36 : i32
    %while3A_38 = arith.muli %while3A_37, %while3A_36 : i32
    %while3A_39 = arith.addi %while3A_33, %while3A_38 : i32
    %while3A_40 = arith.constant 1 : i32
    scf.for %while3A_45 = %while3A_33 to %while3A_39 step %while3A_40  : i32 {
      %mul3A_46 = arith.constant 32 : i32
      %mul3A_47 = arith.muli %while3A_45, %mul3A_46 : i32
      %add3A_48 = arith.addi %add3A, %mul3A_47 : i32
      %mul3A_49 = arith.constant 128 : i32
      %mul3A_50 = arith.muli %add3A_48, %mul3A_49 : i32
      "tpu.region"() ({
        %run_scoped3A = tpu.sem_alloc : memref<!tpu.dma_semaphore, #tpu.memory_space<semaphore_mem>>
        %dma_start3A_55 = tpu.memref_slice %arg3[%mul3A_50] : memref<320000xi32, #tpu.memory_space<hbm>> -> memref<128xi32, #tpu.memory_space<hbm>>
        %dma_start3A_56 = tpu.memref_slice %arg3[%mul3A_50] : memref<320000xi32, #tpu.memory_space<hbm>> -> memref<128xi32, #tpu.memory_space<hbm>>
        tpu.enqueue_dma source(%dma_start3A_56 : memref<128xi32, #tpu.memory_space<hbm>>) target(%arg7 : memref<128xi32, #tpu.memory_space<vmem>>) target_semaphore(%run_scoped3A : memref<!tpu.dma_semaphore, #tpu.memory_space<semaphore_mem>>)
        %dma_wait3A_57 = tpu.memref_slice %arg3[%mul3A_50] : memref<320000xi32, #tpu.memory_space<hbm>> -> memref<128xi32, #tpu.memory_space<hbm>>
        %dma_wait3A_58 = tpu.memref_slice %arg3[%mul3A_50] : memref<320000xi32, #tpu.memory_space<hbm>> -> memref<128xi32, #tpu.memory_space<hbm>>
        tpu.wait_dma2 semaphore(%run_scoped3A : memref<!tpu.dma_semaphore, #tpu.memory_space<semaphore_mem>>) src(%dma_wait3A_58 : memref<128xi32, #tpu.memory_space<hbm>>) dst(%arg7 : memref<128xi32, #tpu.memory_space<vmem>>)
        tpu.yield
      }) : () -> ()
      "tpu.region"() ({
        %run_scoped3A = tpu.sem_alloc : memref<!tpu.dma_semaphore, #tpu.memory_space<semaphore_mem>>
        %dma_start3A_55 = tpu.memref_slice %arg4[%mul3A_50] : memref<320000xi32, #tpu.memory_space<hbm>> -> memref<128xi32, #tpu.memory_space<hbm>>
        %dma_start3A_56 = tpu.memref_slice %arg4[%mul3A_50] : memref<320000xi32, #tpu.memory_space<hbm>> -> memref<128xi32, #tpu.memory_space<hbm>>
        tpu.enqueue_dma source(%dma_start3A_56 : memref<128xi32, #tpu.memory_space<hbm>>) target(%arg8 : memref<128xi32, #tpu.memory_space<vmem>>) target_semaphore(%run_scoped3A : memref<!tpu.dma_semaphore, #tpu.memory_space<semaphore_mem>>)
        %dma_wait3A_57 = tpu.memref_slice %arg4[%mul3A_50] : memref<320000xi32, #tpu.memory_space<hbm>> -> memref<128xi32, #tpu.memory_space<hbm>>
        %dma_wait3A_58 = tpu.memref_slice %arg4[%mul3A_50] : memref<320000xi32, #tpu.memory_space<hbm>> -> memref<128xi32, #tpu.memory_space<hbm>>
        tpu.wait_dma2 semaphore(%run_scoped3A : memref<!tpu.dma_semaphore, #tpu.memory_space<semaphore_mem>>) src(%dma_wait3A_58 : memref<128xi32, #tpu.memory_space<hbm>>) dst(%arg8 : memref<128xi32, #tpu.memory_space<vmem>>)
        tpu.yield
      }) : () -> ()
      %dma_start3A = arith.constant 0 : i32
      %dma_start3A_51 = arith.constant 0 : i32
      %dma_start3A_52 = tpu.memref_slice %arg2[%dma_start3A, %dma_start3A_51] : memref<10000x64xf32, #tpu.memory_space<hbm>> -> memref<10000x64xf32, #tpu.memory_space<hbm>>
      tpu.enqueue_indirect_dma source(%dma_start3A_52 : memref<10000x64xf32, #tpu.memory_space<hbm>>) target(%arg9 : memref<128x64xf32, #tpu.memory_space<vmem>>) offsets(%arg7 : memref<128xi32, #tpu.memory_space<vmem>>) semaphore(%arg11 : memref<!tpu.dma_semaphore, #tpu.memory_space<semaphore_mem>>)
      %dma_wait3A = arith.constant 0 : i32
      %dma_wait3A_53 = arith.constant 0 : i32
      %dma_wait3A_54 = tpu.memref_slice %arg2[%dma_wait3A, %dma_wait3A_53] : memref<10000x64xf32, #tpu.memory_space<hbm>> -> memref<10000x64xf32, #tpu.memory_space<hbm>>
      tpu.wait_indirect_dma semaphore(%arg11 : memref<!tpu.dma_semaphore, #tpu.memory_space<semaphore_mem>>) src(%dma_wait3A_54 : memref<10000x64xf32, #tpu.memory_space<hbm>>) dst(%arg9 : memref<128x64xf32, #tpu.memory_space<vmem>>)
      "tpu.region"() ({
        %run_scoped3A = tpu.sem_alloc : memref<!tpu.dma_semaphore, #tpu.memory_space<semaphore_mem>>
        %dma_start3A_55 = arith.constant 0 : i32
        %dma_start3A_56 = arith.constant 0 : i32
        %dma_start3A_57 = tpu.memref_slice %arg10[%dma_start3A_55, %dma_start3A_56] : memref<10240x64xf32, #tpu.memory_space<vmem_shared>> -> memref<10240x64xf32, #tpu.memory_space<vmem_shared>>
        tpu.enqueue_indirect_dma source(%arg9 : memref<128x64xf32, #tpu.memory_space<vmem>>) target(%dma_start3A_57 : memref<10240x64xf32, #tpu.memory_space<vmem_shared>>) offsets(%arg8 : memref<128xi32, #tpu.memory_space<vmem>>) semaphore(%run_scoped3A : memref<!tpu.dma_semaphore, #tpu.memory_space<semaphore_mem>>) {add = true}
        %dma_wait3A_58 = arith.constant 0 : i32
        %dma_wait3A_59 = arith.constant 0 : i32
        %dma_wait3A_60 = tpu.memref_slice %arg10[%dma_wait3A_58, %dma_wait3A_59] : memref<10240x64xf32, #tpu.memory_space<vmem_shared>> -> memref<10240x64xf32, #tpu.memory_space<vmem_shared>>
        tpu.wait_indirect_dma semaphore(%run_scoped3A : memref<!tpu.dma_semaphore, #tpu.memory_space<semaphore_mem>>) src(%arg9 : memref<128x64xf32, #tpu.memory_space<vmem>>) dst(%dma_wait3A_60 : memref<10240x64xf32, #tpu.memory_space<vmem_shared>>)
        tpu.yield
      }) : () -> ()
    }
    %while3A_41 = arith.constant 1 : i32
    scf.for %while3A_45 = %while3A_39 to %while3A_35 step %while3A_41  : i32 {
      %mul3A_46 = arith.constant 32 : i32
      %mul3A_47 = arith.muli %while3A_45, %mul3A_46 : i32
      %add3A_48 = arith.addi %add3A, %mul3A_47 : i32
      %mul3A_49 = arith.constant 128 : i32
      %mul3A_50 = arith.muli %add3A_48, %mul3A_49 : i32
      "tpu.region"() ({
        %run_scoped3A = tpu.sem_alloc : memref<!tpu.dma_semaphore, #tpu.memory_space<semaphore_mem>>
        %dma_start3A_55 = tpu.memref_slice %arg3[%mul3A_50] : memref<320000xi32, #tpu.memory_space<hbm>> -> memref<128xi32, #tpu.memory_space<hbm>>
        %dma_start3A_56 = tpu.memref_slice %arg3[%mul3A_50] : memref<320000xi32, #tpu.memory_space<hbm>> -> memref<128xi32, #tpu.memory_space<hbm>>
        tpu.enqueue_dma source(%dma_start3A_56 : memref<128xi32, #tpu.memory_space<hbm>>) target(%arg7 : memref<128xi32, #tpu.memory_space<vmem>>) target_semaphore(%run_scoped3A : memref<!tpu.dma_semaphore, #tpu.memory_space<semaphore_mem>>)
        %dma_wait3A_57 = tpu.memref_slice %arg3[%mul3A_50] : memref<320000xi32, #tpu.memory_space<hbm>> -> memref<128xi32, #tpu.memory_space<hbm>>
        %dma_wait3A_58 = tpu.memref_slice %arg3[%mul3A_50] : memref<320000xi32, #tpu.memory_space<hbm>> -> memref<128xi32, #tpu.memory_space<hbm>>
        tpu.wait_dma2 semaphore(%run_scoped3A : memref<!tpu.dma_semaphore, #tpu.memory_space<semaphore_mem>>) src(%dma_wait3A_58 : memref<128xi32, #tpu.memory_space<hbm>>) dst(%arg7 : memref<128xi32, #tpu.memory_space<vmem>>)
        tpu.yield
      }) : () -> ()
      "tpu.region"() ({
        %run_scoped3A = tpu.sem_alloc : memref<!tpu.dma_semaphore, #tpu.memory_space<semaphore_mem>>
        %dma_start3A_55 = tpu.memref_slice %arg4[%mul3A_50] : memref<320000xi32, #tpu.memory_space<hbm>> -> memref<128xi32, #tpu.memory_space<hbm>>
        %dma_start3A_56 = tpu.memref_slice %arg4[%mul3A_50] : memref<320000xi32, #tpu.memory_space<hbm>> -> memref<128xi32, #tpu.memory_space<hbm>>
        tpu.enqueue_dma source(%dma_start3A_56 : memref<128xi32, #tpu.memory_space<hbm>>) target(%arg8 : memref<128xi32, #tpu.memory_space<vmem>>) target_semaphore(%run_scoped3A : memref<!tpu.dma_semaphore, #tpu.memory_space<semaphore_mem>>)
        %dma_wait3A_57 = tpu.memref_slice %arg4[%mul3A_50] : memref<320000xi32, #tpu.memory_space<hbm>> -> memref<128xi32, #tpu.memory_space<hbm>>
        %dma_wait3A_58 = tpu.memref_slice %arg4[%mul3A_50] : memref<320000xi32, #tpu.memory_space<hbm>> -> memref<128xi32, #tpu.memory_space<hbm>>
        tpu.wait_dma2 semaphore(%run_scoped3A : memref<!tpu.dma_semaphore, #tpu.memory_space<semaphore_mem>>) src(%dma_wait3A_58 : memref<128xi32, #tpu.memory_space<hbm>>) dst(%arg8 : memref<128xi32, #tpu.memory_space<vmem>>)
        tpu.yield
      }) : () -> ()
      %dma_start3A = arith.constant 0 : i32
      %dma_start3A_51 = arith.constant 0 : i32
      %dma_start3A_52 = tpu.memref_slice %arg2[%dma_start3A, %dma_start3A_51] : memref<10000x64xf32, #tpu.memory_space<hbm>> -> memref<10000x64xf32, #tpu.memory_space<hbm>>
      tpu.enqueue_indirect_dma source(%dma_start3A_52 : memref<10000x64xf32, #tpu.memory_space<hbm>>) target(%arg9 : memref<128x64xf32, #tpu.memory_space<vmem>>) offsets(%arg7 : memref<128xi32, #tpu.memory_space<vmem>>) semaphore(%arg11 : memref<!tpu.dma_semaphore, #tpu.memory_space<semaphore_mem>>)
      %dma_wait3A = arith.constant 0 : i32
      %dma_wait3A_53 = arith.constant 0 : i32
      %dma_wait3A_54 = tpu.memref_slice %arg2[%dma_wait3A, %dma_wait3A_53] : memref<10000x64xf32, #tpu.memory_space<hbm>> -> memref<10000x64xf32, #tpu.memory_space<hbm>>
      tpu.wait_indirect_dma semaphore(%arg11 : memref<!tpu.dma_semaphore, #tpu.memory_space<semaphore_mem>>) src(%dma_wait3A_54 : memref<10000x64xf32, #tpu.memory_space<hbm>>) dst(%arg9 : memref<128x64xf32, #tpu.memory_space<vmem>>)
      "tpu.region"() ({
        %run_scoped3A = tpu.sem_alloc : memref<!tpu.dma_semaphore, #tpu.memory_space<semaphore_mem>>
        %dma_start3A_55 = arith.constant 0 : i32
        %dma_start3A_56 = arith.constant 0 : i32
        %dma_start3A_57 = tpu.memref_slice %arg10[%dma_start3A_55, %dma_start3A_56] : memref<10240x64xf32, #tpu.memory_space<vmem_shared>> -> memref<10240x64xf32, #tpu.memory_space<vmem_shared>>
        tpu.enqueue_indirect_dma source(%arg9 : memref<128x64xf32, #tpu.memory_space<vmem>>) target(%dma_start3A_57 : memref<10240x64xf32, #tpu.memory_space<vmem_shared>>) offsets(%arg8 : memref<128xi32, #tpu.memory_space<vmem>>) semaphore(%run_scoped3A : memref<!tpu.dma_semaphore, #tpu.memory_space<semaphore_mem>>) {add = true}
        %dma_wait3A_58 = arith.constant 0 : i32
        %dma_wait3A_59 = arith.constant 0 : i32
        %dma_wait3A_60 = tpu.memref_slice %arg10[%dma_wait3A_58, %dma_wait3A_59] : memref<10240x64xf32, #tpu.memory_space<vmem_shared>> -> memref<10240x64xf32, #tpu.memory_space<vmem_shared>>
        tpu.wait_indirect_dma semaphore(%run_scoped3A : memref<!tpu.dma_semaphore, #tpu.memory_space<semaphore_mem>>) src(%arg9 : memref<128x64xf32, #tpu.memory_space<vmem>>) dst(%dma_wait3A_60 : memref<10240x64xf32, #tpu.memory_space<vmem_shared>>)
        tpu.yield
      }) : () -> ()
    }
    %barrier3A_42 = arith.constant 0 : index
    tpu.barrier barrier_id(%barrier3A_42)
    %mul3A_43 = arith.constant 640 : i32
    %mul3A_44 = arith.muli %arg1, %mul3A_43 : i32
    "tpu.region"() ({
      %run_scoped3A = tpu.sem_alloc : memref<!tpu.dma_semaphore, #tpu.memory_space<semaphore_mem>>
      %dma_start3A = arith.constant 0 : i32
      %dma_start3A_45 = tpu.memref_slice %arg6[%arg0, %mul3A_44, %dma_start3A] : memref<2x10240x64xf32, #tpu.memory_space<hbm>> -> memref<1x640x64xf32, #tpu.memory_space<hbm>>
      %dma_start3A_46 = tpu.memref_squeeze %dma_start3A_45 : memref<1x640x64xf32, #tpu.memory_space<hbm>> -> memref<640x64xf32, #tpu.memory_space<hbm>>
      %dma_start3A_47 = arith.constant 0 : i32
      %dma_start3A_48 = tpu.memref_slice %arg10[%mul3A_44, %dma_start3A_47] : memref<10240x64xf32, #tpu.memory_space<vmem_shared>> -> memref<640x64xf32, #tpu.memory_space<vmem_shared>>
      tpu.enqueue_dma source(%dma_start3A_48 : memref<640x64xf32, #tpu.memory_space<vmem_shared>>) target(%dma_start3A_46 : memref<640x64xf32, #tpu.memory_space<hbm>>) target_semaphore(%run_scoped3A : memref<!tpu.dma_semaphore, #tpu.memory_space<semaphore_mem>>)
      %dma_wait3A = arith.constant 0 : i32
      %dma_wait3A_49 = tpu.memref_slice %arg6[%arg0, %mul3A_44, %dma_wait3A] : memref<2x10240x64xf32, #tpu.memory_space<hbm>> -> memref<1x640x64xf32, #tpu.memory_space<hbm>>
      %dma_wait3A_50 = tpu.memref_squeeze %dma_wait3A_49 : memref<1x640x64xf32, #tpu.memory_space<hbm>> -> memref<640x64xf32, #tpu.memory_space<hbm>>
      %dma_wait3A_51 = arith.constant 0 : i32
      %dma_wait3A_52 = tpu.memref_slice %arg10[%mul3A_44, %dma_wait3A_51] : memref<10240x64xf32, #tpu.memory_space<vmem_shared>> -> memref<640x64xf32, #tpu.memory_space<vmem_shared>>
      tpu.wait_dma2 semaphore(%run_scoped3A : memref<!tpu.dma_semaphore, #tpu.memory_space<semaphore_mem>>) src(%dma_wait3A_52 : memref<640x64xf32, #tpu.memory_space<vmem_shared>>) dst(%dma_wait3A_50 : memref<640x64xf32, #tpu.memory_space<hbm>>)
      tpu.yield
    }) : () -> ()
    return
  }
}

#map = affine_map<(d0, d1) -> (0, 0)>
#map1 = affine_map<(d0, d1) -> (0)>
#map2 = affine_map<(d0, d1) -> (0, 0, 0)>
module attributes {stable_mosaic.version = 14 : i64} {
  func.func @body(%arg0: i32, %arg1: i32, %arg2: memref<10000x64xf32, #tpu.memory_space<hbm>>, %arg3: memref<320000xi32, #tpu.memory_space<hbm>>, %arg4: memref<320000xi32, #tpu.memory_space<hbm>>, %arg5: memref<128x64xf32, #tpu.memory_space<hbm>>, %arg6: memref<128x16xf32, #tpu.memory_space<hbm>>, %arg7: memref<128x16xf32, #tpu.memory_space<hbm>>, %arg8: memref<2x10240x64xf32, #tpu.memory_space<hbm>>, %arg9: memref<2x10240x16xf32, #tpu.memory_space<hbm>>, %arg10: memref<128xi32, #tpu.memory_space<vmem>>, %arg11: memref<128xi32, #tpu.memory_space<vmem>>, %arg12: memref<128x64xf32, #tpu.memory_space<vmem>>, %arg13: memref<10240x64xf32, #tpu.memory_space<vmem_shared>>, %arg14: memref<!tpu.dma_semaphore, #tpu.memory_space<semaphore_mem>>, %arg15: memref<128x16xf32, #tpu.memory_space<vmem>>, %arg16: memref<10240x16xf32, #tpu.memory_space<vmem_shared>>) attributes {dimension_semantics = [#tpu.dimension_semantics<core_parallel>, #tpu.dimension_semantics<subcore_parallel>], iteration_bounds = array<i64: 2, 16>, scalar_prefetch = 0 : i64, scratch_operands = 7 : i64, tpu.core_type = #tpu.core_type<sc_vector_subcore>, window_params = [{transform_indices = #map}, {transform_indices = #map1}, {transform_indices = #map1}, {transform_indices = #map}, {transform_indices = #map}, {transform_indices = #map}, {transform_indices = #map2}, {transform_indices = #map2}]} {
    %mul3A = arith.constant 2 : i32
    %mul3A_0 = arith.muli %arg1, %mul3A : i32
    %add3A = arith.addi %mul3A_0, %arg0 : i32
    %mul3A_1 = arith.constant 5 : i32
    %mul3A_2 = arith.muli %arg1, %mul3A_1 : i32
    %add3A_3 = arith.constant 0 : i32
    %add3A_4 = arith.addi %mul3A_2, %add3A_3 : i32
    %mul3A_5 = arith.constant 128 : i32
    %mul3A_6 = arith.muli %add3A_4, %mul3A_5 : i32
    "tpu.region"() ({
      %run_scoped3A = tpu.sem_alloc : memref<!tpu.dma_semaphore, #tpu.memory_space<semaphore_mem>>
      %dma_start3A = arith.constant 0 : i32
      %dma_start3A_45 = tpu.memref_slice %arg13[%mul3A_6, %dma_start3A] : memref<10240x64xf32, #tpu.memory_space<vmem_shared>> -> memref<128x64xf32, #tpu.memory_space<vmem_shared>>
      tpu.enqueue_dma source(%arg5 : memref<128x64xf32, #tpu.memory_space<hbm>>) target(%dma_start3A_45 : memref<128x64xf32, #tpu.memory_space<vmem_shared>>) target_semaphore(%run_scoped3A : memref<!tpu.dma_semaphore, #tpu.memory_space<semaphore_mem>>)
      %dma_wait3A = arith.constant 0 : i32
      %dma_wait3A_46 = tpu.memref_slice %arg13[%mul3A_6, %dma_wait3A] : memref<10240x64xf32, #tpu.memory_space<vmem_shared>> -> memref<128x64xf32, #tpu.memory_space<vmem_shared>>
      tpu.wait_dma2 semaphore(%run_scoped3A : memref<!tpu.dma_semaphore, #tpu.memory_space<semaphore_mem>>) src(%arg5 : memref<128x64xf32, #tpu.memory_space<hbm>>) dst(%dma_wait3A_46 : memref<128x64xf32, #tpu.memory_space<vmem_shared>>)
      tpu.yield
    }) : () -> ()
    "tpu.region"() ({
      %run_scoped3A = tpu.sem_alloc : memref<!tpu.dma_semaphore, #tpu.memory_space<semaphore_mem>>
      %dma_start3A = arith.constant 0 : i32
      %dma_start3A_45 = tpu.memref_slice %arg16[%mul3A_6, %dma_start3A] : memref<10240x16xf32, #tpu.memory_space<vmem_shared>> -> memref<128x16xf32, #tpu.memory_space<vmem_shared>>
      tpu.enqueue_dma source(%arg6 : memref<128x16xf32, #tpu.memory_space<hbm>>) target(%dma_start3A_45 : memref<128x16xf32, #tpu.memory_space<vmem_shared>>) target_semaphore(%run_scoped3A : memref<!tpu.dma_semaphore, #tpu.memory_space<semaphore_mem>>)
      %dma_wait3A = arith.constant 0 : i32
      %dma_wait3A_46 = tpu.memref_slice %arg16[%mul3A_6, %dma_wait3A] : memref<10240x16xf32, #tpu.memory_space<vmem_shared>> -> memref<128x16xf32, #tpu.memory_space<vmem_shared>>
      tpu.wait_dma2 semaphore(%run_scoped3A : memref<!tpu.dma_semaphore, #tpu.memory_space<semaphore_mem>>) src(%arg6 : memref<128x16xf32, #tpu.memory_space<hbm>>) dst(%dma_wait3A_46 : memref<128x16xf32, #tpu.memory_space<vmem_shared>>)
      tpu.yield
    }) : () -> ()
    %mul3A_7 = arith.constant 5 : i32
    %mul3A_8 = arith.muli %arg1, %mul3A_7 : i32
    %add3A_9 = arith.constant 1 : i32
    %add3A_10 = arith.addi %mul3A_8, %add3A_9 : i32
    %mul3A_11 = arith.constant 128 : i32
    %mul3A_12 = arith.muli %add3A_10, %mul3A_11 : i32
    "tpu.region"() ({
      %run_scoped3A = tpu.sem_alloc : memref<!tpu.dma_semaphore, #tpu.memory_space<semaphore_mem>>
      %dma_start3A = arith.constant 0 : i32
      %dma_start3A_45 = tpu.memref_slice %arg13[%mul3A_12, %dma_start3A] : memref<10240x64xf32, #tpu.memory_space<vmem_shared>> -> memref<128x64xf32, #tpu.memory_space<vmem_shared>>
      tpu.enqueue_dma source(%arg5 : memref<128x64xf32, #tpu.memory_space<hbm>>) target(%dma_start3A_45 : memref<128x64xf32, #tpu.memory_space<vmem_shared>>) target_semaphore(%run_scoped3A : memref<!tpu.dma_semaphore, #tpu.memory_space<semaphore_mem>>)
      %dma_wait3A = arith.constant 0 : i32
      %dma_wait3A_46 = tpu.memref_slice %arg13[%mul3A_12, %dma_wait3A] : memref<10240x64xf32, #tpu.memory_space<vmem_shared>> -> memref<128x64xf32, #tpu.memory_space<vmem_shared>>
      tpu.wait_dma2 semaphore(%run_scoped3A : memref<!tpu.dma_semaphore, #tpu.memory_space<semaphore_mem>>) src(%arg5 : memref<128x64xf32, #tpu.memory_space<hbm>>) dst(%dma_wait3A_46 : memref<128x64xf32, #tpu.memory_space<vmem_shared>>)
      tpu.yield
    }) : () -> ()
    "tpu.region"() ({
      %run_scoped3A = tpu.sem_alloc : memref<!tpu.dma_semaphore, #tpu.memory_space<semaphore_mem>>
      %dma_start3A = arith.constant 0 : i32
      %dma_start3A_45 = tpu.memref_slice %arg16[%mul3A_12, %dma_start3A] : memref<10240x16xf32, #tpu.memory_space<vmem_shared>> -> memref<128x16xf32, #tpu.memory_space<vmem_shared>>
      tpu.enqueue_dma source(%arg6 : memref<128x16xf32, #tpu.memory_space<hbm>>) target(%dma_start3A_45 : memref<128x16xf32, #tpu.memory_space<vmem_shared>>) target_semaphore(%run_scoped3A : memref<!tpu.dma_semaphore, #tpu.memory_space<semaphore_mem>>)
      %dma_wait3A = arith.constant 0 : i32
      %dma_wait3A_46 = tpu.memref_slice %arg16[%mul3A_12, %dma_wait3A] : memref<10240x16xf32, #tpu.memory_space<vmem_shared>> -> memref<128x16xf32, #tpu.memory_space<vmem_shared>>
      tpu.wait_dma2 semaphore(%run_scoped3A : memref<!tpu.dma_semaphore, #tpu.memory_space<semaphore_mem>>) src(%arg6 : memref<128x16xf32, #tpu.memory_space<hbm>>) dst(%dma_wait3A_46 : memref<128x16xf32, #tpu.memory_space<vmem_shared>>)
      tpu.yield
    }) : () -> ()
    %mul3A_13 = arith.constant 5 : i32
    %mul3A_14 = arith.muli %arg1, %mul3A_13 : i32
    %add3A_15 = arith.constant 2 : i32
    %add3A_16 = arith.addi %mul3A_14, %add3A_15 : i32
    %mul3A_17 = arith.constant 128 : i32
    %mul3A_18 = arith.muli %add3A_16, %mul3A_17 : i32
    "tpu.region"() ({
      %run_scoped3A = tpu.sem_alloc : memref<!tpu.dma_semaphore, #tpu.memory_space<semaphore_mem>>
      %dma_start3A = arith.constant 0 : i32
      %dma_start3A_45 = tpu.memref_slice %arg13[%mul3A_18, %dma_start3A] : memref<10240x64xf32, #tpu.memory_space<vmem_shared>> -> memref<128x64xf32, #tpu.memory_space<vmem_shared>>
      tpu.enqueue_dma source(%arg5 : memref<128x64xf32, #tpu.memory_space<hbm>>) target(%dma_start3A_45 : memref<128x64xf32, #tpu.memory_space<vmem_shared>>) target_semaphore(%run_scoped3A : memref<!tpu.dma_semaphore, #tpu.memory_space<semaphore_mem>>)
      %dma_wait3A = arith.constant 0 : i32
      %dma_wait3A_46 = tpu.memref_slice %arg13[%mul3A_18, %dma_wait3A] : memref<10240x64xf32, #tpu.memory_space<vmem_shared>> -> memref<128x64xf32, #tpu.memory_space<vmem_shared>>
      tpu.wait_dma2 semaphore(%run_scoped3A : memref<!tpu.dma_semaphore, #tpu.memory_space<semaphore_mem>>) src(%arg5 : memref<128x64xf32, #tpu.memory_space<hbm>>) dst(%dma_wait3A_46 : memref<128x64xf32, #tpu.memory_space<vmem_shared>>)
      tpu.yield
    }) : () -> ()
    "tpu.region"() ({
      %run_scoped3A = tpu.sem_alloc : memref<!tpu.dma_semaphore, #tpu.memory_space<semaphore_mem>>
      %dma_start3A = arith.constant 0 : i32
      %dma_start3A_45 = tpu.memref_slice %arg16[%mul3A_18, %dma_start3A] : memref<10240x16xf32, #tpu.memory_space<vmem_shared>> -> memref<128x16xf32, #tpu.memory_space<vmem_shared>>
      tpu.enqueue_dma source(%arg6 : memref<128x16xf32, #tpu.memory_space<hbm>>) target(%dma_start3A_45 : memref<128x16xf32, #tpu.memory_space<vmem_shared>>) target_semaphore(%run_scoped3A : memref<!tpu.dma_semaphore, #tpu.memory_space<semaphore_mem>>)
      %dma_wait3A = arith.constant 0 : i32
      %dma_wait3A_46 = tpu.memref_slice %arg16[%mul3A_18, %dma_wait3A] : memref<10240x16xf32, #tpu.memory_space<vmem_shared>> -> memref<128x16xf32, #tpu.memory_space<vmem_shared>>
      tpu.wait_dma2 semaphore(%run_scoped3A : memref<!tpu.dma_semaphore, #tpu.memory_space<semaphore_mem>>) src(%arg6 : memref<128x16xf32, #tpu.memory_space<hbm>>) dst(%dma_wait3A_46 : memref<128x16xf32, #tpu.memory_space<vmem_shared>>)
      tpu.yield
    }) : () -> ()
    %mul3A_19 = arith.constant 5 : i32
    %mul3A_20 = arith.muli %arg1, %mul3A_19 : i32
    %add3A_21 = arith.constant 3 : i32
    %add3A_22 = arith.addi %mul3A_20, %add3A_21 : i32
    %mul3A_23 = arith.constant 128 : i32
    %mul3A_24 = arith.muli %add3A_22, %mul3A_23 : i32
    "tpu.region"() ({
      %run_scoped3A = tpu.sem_alloc : memref<!tpu.dma_semaphore, #tpu.memory_space<semaphore_mem>>
      %dma_start3A = arith.constant 0 : i32
      %dma_start3A_45 = tpu.memref_slice %arg13[%mul3A_24, %dma_start3A] : memref<10240x64xf32, #tpu.memory_space<vmem_shared>> -> memref<128x64xf32, #tpu.memory_space<vmem_shared>>
      tpu.enqueue_dma source(%arg5 : memref<128x64xf32, #tpu.memory_space<hbm>>) target(%dma_start3A_45 : memref<128x64xf32, #tpu.memory_space<vmem_shared>>) target_semaphore(%run_scoped3A : memref<!tpu.dma_semaphore, #tpu.memory_space<semaphore_mem>>)
      %dma_wait3A = arith.constant 0 : i32
      %dma_wait3A_46 = tpu.memref_slice %arg13[%mul3A_24, %dma_wait3A] : memref<10240x64xf32, #tpu.memory_space<vmem_shared>> -> memref<128x64xf32, #tpu.memory_space<vmem_shared>>
      tpu.wait_dma2 semaphore(%run_scoped3A : memref<!tpu.dma_semaphore, #tpu.memory_space<semaphore_mem>>) src(%arg5 : memref<128x64xf32, #tpu.memory_space<hbm>>) dst(%dma_wait3A_46 : memref<128x64xf32, #tpu.memory_space<vmem_shared>>)
      tpu.yield
    }) : () -> ()
    "tpu.region"() ({
      %run_scoped3A = tpu.sem_alloc : memref<!tpu.dma_semaphore, #tpu.memory_space<semaphore_mem>>
      %dma_start3A = arith.constant 0 : i32
      %dma_start3A_45 = tpu.memref_slice %arg16[%mul3A_24, %dma_start3A] : memref<10240x16xf32, #tpu.memory_space<vmem_shared>> -> memref<128x16xf32, #tpu.memory_space<vmem_shared>>
      tpu.enqueue_dma source(%arg6 : memref<128x16xf32, #tpu.memory_space<hbm>>) target(%dma_start3A_45 : memref<128x16xf32, #tpu.memory_space<vmem_shared>>) target_semaphore(%run_scoped3A : memref<!tpu.dma_semaphore, #tpu.memory_space<semaphore_mem>>)
      %dma_wait3A = arith.constant 0 : i32
      %dma_wait3A_46 = tpu.memref_slice %arg16[%mul3A_24, %dma_wait3A] : memref<10240x16xf32, #tpu.memory_space<vmem_shared>> -> memref<128x16xf32, #tpu.memory_space<vmem_shared>>
      tpu.wait_dma2 semaphore(%run_scoped3A : memref<!tpu.dma_semaphore, #tpu.memory_space<semaphore_mem>>) src(%arg6 : memref<128x16xf32, #tpu.memory_space<hbm>>) dst(%dma_wait3A_46 : memref<128x16xf32, #tpu.memory_space<vmem_shared>>)
      tpu.yield
    }) : () -> ()
    %mul3A_25 = arith.constant 5 : i32
    %mul3A_26 = arith.muli %arg1, %mul3A_25 : i32
    %add3A_27 = arith.constant 4 : i32
    %add3A_28 = arith.addi %mul3A_26, %add3A_27 : i32
    %mul3A_29 = arith.constant 128 : i32
    %mul3A_30 = arith.muli %add3A_28, %mul3A_29 : i32
    "tpu.region"() ({
      %run_scoped3A = tpu.sem_alloc : memref<!tpu.dma_semaphore, #tpu.memory_space<semaphore_mem>>
      %dma_start3A = arith.constant 0 : i32
      %dma_start3A_45 = tpu.memref_slice %arg13[%mul3A_30, %dma_start3A] : memref<10240x64xf32, #tpu.memory_space<vmem_shared>> -> memref<128x64xf32, #tpu.memory_space<vmem_shared>>
      tpu.enqueue_dma source(%arg5 : memref<128x64xf32, #tpu.memory_space<hbm>>) target(%dma_start3A_45 : memref<128x64xf32, #tpu.memory_space<vmem_shared>>) target_semaphore(%run_scoped3A : memref<!tpu.dma_semaphore, #tpu.memory_space<semaphore_mem>>)
      %dma_wait3A = arith.constant 0 : i32
      %dma_wait3A_46 = tpu.memref_slice %arg13[%mul3A_30, %dma_wait3A] : memref<10240x64xf32, #tpu.memory_space<vmem_shared>> -> memref<128x64xf32, #tpu.memory_space<vmem_shared>>
      tpu.wait_dma2 semaphore(%run_scoped3A : memref<!tpu.dma_semaphore, #tpu.memory_space<semaphore_mem>>) src(%arg5 : memref<128x64xf32, #tpu.memory_space<hbm>>) dst(%dma_wait3A_46 : memref<128x64xf32, #tpu.memory_space<vmem_shared>>)
      tpu.yield
    }) : () -> ()
    "tpu.region"() ({
      %run_scoped3A = tpu.sem_alloc : memref<!tpu.dma_semaphore, #tpu.memory_space<semaphore_mem>>
      %dma_start3A = arith.constant 0 : i32
      %dma_start3A_45 = tpu.memref_slice %arg16[%mul3A_30, %dma_start3A] : memref<10240x16xf32, #tpu.memory_space<vmem_shared>> -> memref<128x16xf32, #tpu.memory_space<vmem_shared>>
      tpu.enqueue_dma source(%arg6 : memref<128x16xf32, #tpu.memory_space<hbm>>) target(%dma_start3A_45 : memref<128x16xf32, #tpu.memory_space<vmem_shared>>) target_semaphore(%run_scoped3A : memref<!tpu.dma_semaphore, #tpu.memory_space<semaphore_mem>>)
      %dma_wait3A = arith.constant 0 : i32
      %dma_wait3A_46 = tpu.memref_slice %arg16[%mul3A_30, %dma_wait3A] : memref<10240x16xf32, #tpu.memory_space<vmem_shared>> -> memref<128x16xf32, #tpu.memory_space<vmem_shared>>
      tpu.wait_dma2 semaphore(%run_scoped3A : memref<!tpu.dma_semaphore, #tpu.memory_space<semaphore_mem>>) src(%arg6 : memref<128x16xf32, #tpu.memory_space<hbm>>) dst(%dma_wait3A_46 : memref<128x16xf32, #tpu.memory_space<vmem_shared>>)
      tpu.yield
    }) : () -> ()
    "tpu.region"() ({
      %run_scoped3A = tpu.sem_alloc : memref<!tpu.dma_semaphore, #tpu.memory_space<semaphore_mem>>
      tpu.enqueue_dma source(%arg7 : memref<128x16xf32, #tpu.memory_space<hbm>>) target(%arg15 : memref<128x16xf32, #tpu.memory_space<vmem>>) target_semaphore(%run_scoped3A : memref<!tpu.dma_semaphore, #tpu.memory_space<semaphore_mem>>)
      tpu.wait_dma2 semaphore(%run_scoped3A : memref<!tpu.dma_semaphore, #tpu.memory_space<semaphore_mem>>) src(%arg7 : memref<128x16xf32, #tpu.memory_space<hbm>>) dst(%arg15 : memref<128x16xf32, #tpu.memory_space<vmem>>)
      tpu.yield
    }) : () -> ()
    %barrier3A = arith.constant 0 : index
    tpu.barrier barrier_id(%barrier3A)
    %lt3A = arith.constant 4 : i32
    %lt3A_31 = arith.cmpi slt, %add3A, %lt3A : i32
    %jit3A = arith.constant 79 : i32
    %jit3A_32 = arith.constant 78 : i32
    %select_n3A = arith.select %lt3A_31, %jit3A, %jit3A_32 : i32
    %while3A = arith.constant 0 : i32
    %while3A_33 = arith.constant 0 : i32
    %while3A_34 = arith.subi %select_n3A, %while3A_33 : i32
    %while3A_35 = arith.addi %while3A_33, %while3A_34 : i32
    %while3A_36 = arith.constant 1 : i32
    %while3A_37 = arith.divsi %while3A_34, %while3A_36 : i32
    %while3A_38 = arith.muli %while3A_37, %while3A_36 : i32
    %while3A_39 = arith.addi %while3A_33, %while3A_38 : i32
    %while3A_40 = arith.constant 1 : i32
    scf.for %while3A_45 = %while3A_33 to %while3A_39 step %while3A_40  : i32 {
      %mul3A_46 = arith.constant 32 : i32
      %mul3A_47 = arith.muli %while3A_45, %mul3A_46 : i32
      %add3A_48 = arith.addi %add3A, %mul3A_47 : i32
      %mul3A_49 = arith.constant 128 : i32
      %mul3A_50 = arith.muli %add3A_48, %mul3A_49 : i32
      "tpu.region"() ({
        %run_scoped3A = tpu.sem_alloc : memref<!tpu.dma_semaphore, #tpu.memory_space<semaphore_mem>>
        %dma_start3A_55 = tpu.memref_slice %arg3[%mul3A_50] : memref<320000xi32, #tpu.memory_space<hbm>> -> memref<128xi32, #tpu.memory_space<hbm>>
        %dma_start3A_56 = tpu.memref_slice %arg3[%mul3A_50] : memref<320000xi32, #tpu.memory_space<hbm>> -> memref<128xi32, #tpu.memory_space<hbm>>
        tpu.enqueue_dma source(%dma_start3A_56 : memref<128xi32, #tpu.memory_space<hbm>>) target(%arg10 : memref<128xi32, #tpu.memory_space<vmem>>) target_semaphore(%run_scoped3A : memref<!tpu.dma_semaphore, #tpu.memory_space<semaphore_mem>>)
        %dma_wait3A_57 = tpu.memref_slice %arg3[%mul3A_50] : memref<320000xi32, #tpu.memory_space<hbm>> -> memref<128xi32, #tpu.memory_space<hbm>>
        %dma_wait3A_58 = tpu.memref_slice %arg3[%mul3A_50] : memref<320000xi32, #tpu.memory_space<hbm>> -> memref<128xi32, #tpu.memory_space<hbm>>
        tpu.wait_dma2 semaphore(%run_scoped3A : memref<!tpu.dma_semaphore, #tpu.memory_space<semaphore_mem>>) src(%dma_wait3A_58 : memref<128xi32, #tpu.memory_space<hbm>>) dst(%arg10 : memref<128xi32, #tpu.memory_space<vmem>>)
        tpu.yield
      }) : () -> ()
      "tpu.region"() ({
        %run_scoped3A = tpu.sem_alloc : memref<!tpu.dma_semaphore, #tpu.memory_space<semaphore_mem>>
        %dma_start3A_55 = tpu.memref_slice %arg4[%mul3A_50] : memref<320000xi32, #tpu.memory_space<hbm>> -> memref<128xi32, #tpu.memory_space<hbm>>
        %dma_start3A_56 = tpu.memref_slice %arg4[%mul3A_50] : memref<320000xi32, #tpu.memory_space<hbm>> -> memref<128xi32, #tpu.memory_space<hbm>>
        tpu.enqueue_dma source(%dma_start3A_56 : memref<128xi32, #tpu.memory_space<hbm>>) target(%arg11 : memref<128xi32, #tpu.memory_space<vmem>>) target_semaphore(%run_scoped3A : memref<!tpu.dma_semaphore, #tpu.memory_space<semaphore_mem>>)
        %dma_wait3A_57 = tpu.memref_slice %arg4[%mul3A_50] : memref<320000xi32, #tpu.memory_space<hbm>> -> memref<128xi32, #tpu.memory_space<hbm>>
        %dma_wait3A_58 = tpu.memref_slice %arg4[%mul3A_50] : memref<320000xi32, #tpu.memory_space<hbm>> -> memref<128xi32, #tpu.memory_space<hbm>>
        tpu.wait_dma2 semaphore(%run_scoped3A : memref<!tpu.dma_semaphore, #tpu.memory_space<semaphore_mem>>) src(%dma_wait3A_58 : memref<128xi32, #tpu.memory_space<hbm>>) dst(%arg11 : memref<128xi32, #tpu.memory_space<vmem>>)
        tpu.yield
      }) : () -> ()
      %dma_start3A = arith.constant 0 : i32
      %dma_start3A_51 = arith.constant 0 : i32
      %dma_start3A_52 = tpu.memref_slice %arg2[%dma_start3A, %dma_start3A_51] : memref<10000x64xf32, #tpu.memory_space<hbm>> -> memref<10000x64xf32, #tpu.memory_space<hbm>>
      tpu.enqueue_indirect_dma source(%dma_start3A_52 : memref<10000x64xf32, #tpu.memory_space<hbm>>) target(%arg12 : memref<128x64xf32, #tpu.memory_space<vmem>>) offsets(%arg10 : memref<128xi32, #tpu.memory_space<vmem>>) semaphore(%arg14 : memref<!tpu.dma_semaphore, #tpu.memory_space<semaphore_mem>>)
      %dma_wait3A = arith.constant 0 : i32
      %dma_wait3A_53 = arith.constant 0 : i32
      %dma_wait3A_54 = tpu.memref_slice %arg2[%dma_wait3A, %dma_wait3A_53] : memref<10000x64xf32, #tpu.memory_space<hbm>> -> memref<10000x64xf32, #tpu.memory_space<hbm>>
      tpu.wait_indirect_dma semaphore(%arg14 : memref<!tpu.dma_semaphore, #tpu.memory_space<semaphore_mem>>) src(%dma_wait3A_54 : memref<10000x64xf32, #tpu.memory_space<hbm>>) dst(%arg12 : memref<128x64xf32, #tpu.memory_space<vmem>>)
      "tpu.region"() ({
        %run_scoped3A = tpu.sem_alloc : memref<!tpu.dma_semaphore, #tpu.memory_space<semaphore_mem>>
        %dma_start3A_55 = arith.constant 0 : i32
        %dma_start3A_56 = arith.constant 0 : i32
        %dma_start3A_57 = tpu.memref_slice %arg13[%dma_start3A_55, %dma_start3A_56] : memref<10240x64xf32, #tpu.memory_space<vmem_shared>> -> memref<10240x64xf32, #tpu.memory_space<vmem_shared>>
        tpu.enqueue_indirect_dma source(%arg12 : memref<128x64xf32, #tpu.memory_space<vmem>>) target(%dma_start3A_57 : memref<10240x64xf32, #tpu.memory_space<vmem_shared>>) offsets(%arg11 : memref<128xi32, #tpu.memory_space<vmem>>) semaphore(%run_scoped3A : memref<!tpu.dma_semaphore, #tpu.memory_space<semaphore_mem>>) {add = true}
        %dma_wait3A_58 = arith.constant 0 : i32
        %dma_wait3A_59 = arith.constant 0 : i32
        %dma_wait3A_60 = tpu.memref_slice %arg13[%dma_wait3A_58, %dma_wait3A_59] : memref<10240x64xf32, #tpu.memory_space<vmem_shared>> -> memref<10240x64xf32, #tpu.memory_space<vmem_shared>>
        tpu.wait_indirect_dma semaphore(%run_scoped3A : memref<!tpu.dma_semaphore, #tpu.memory_space<semaphore_mem>>) src(%arg12 : memref<128x64xf32, #tpu.memory_space<vmem>>) dst(%dma_wait3A_60 : memref<10240x64xf32, #tpu.memory_space<vmem_shared>>)
        tpu.yield
      }) : () -> ()
      "tpu.region"() ({
        %run_scoped3A = tpu.sem_alloc : memref<!tpu.dma_semaphore, #tpu.memory_space<semaphore_mem>>
        %dma_start3A_55 = arith.constant 0 : i32
        %dma_start3A_56 = arith.constant 0 : i32
        %dma_start3A_57 = tpu.memref_slice %arg16[%dma_start3A_55, %dma_start3A_56] : memref<10240x16xf32, #tpu.memory_space<vmem_shared>> -> memref<10240x16xf32, #tpu.memory_space<vmem_shared>>
        tpu.enqueue_indirect_dma source(%arg15 : memref<128x16xf32, #tpu.memory_space<vmem>>) target(%dma_start3A_57 : memref<10240x16xf32, #tpu.memory_space<vmem_shared>>) offsets(%arg11 : memref<128xi32, #tpu.memory_space<vmem>>) semaphore(%run_scoped3A : memref<!tpu.dma_semaphore, #tpu.memory_space<semaphore_mem>>) {add = true}
        %dma_wait3A_58 = arith.constant 0 : i32
        %dma_wait3A_59 = arith.constant 0 : i32
        %dma_wait3A_60 = tpu.memref_slice %arg16[%dma_wait3A_58, %dma_wait3A_59] : memref<10240x16xf32, #tpu.memory_space<vmem_shared>> -> memref<10240x16xf32, #tpu.memory_space<vmem_shared>>
        tpu.wait_indirect_dma semaphore(%run_scoped3A : memref<!tpu.dma_semaphore, #tpu.memory_space<semaphore_mem>>) src(%arg15 : memref<128x16xf32, #tpu.memory_space<vmem>>) dst(%dma_wait3A_60 : memref<10240x16xf32, #tpu.memory_space<vmem_shared>>)
        tpu.yield
      }) : () -> ()
    }
    %while3A_41 = arith.constant 1 : i32
    scf.for %while3A_45 = %while3A_39 to %while3A_35 step %while3A_41  : i32 {
      %mul3A_46 = arith.constant 32 : i32
      %mul3A_47 = arith.muli %while3A_45, %mul3A_46 : i32
      %add3A_48 = arith.addi %add3A, %mul3A_47 : i32
      %mul3A_49 = arith.constant 128 : i32
      %mul3A_50 = arith.muli %add3A_48, %mul3A_49 : i32
      "tpu.region"() ({
        %run_scoped3A = tpu.sem_alloc : memref<!tpu.dma_semaphore, #tpu.memory_space<semaphore_mem>>
        %dma_start3A_55 = tpu.memref_slice %arg3[%mul3A_50] : memref<320000xi32, #tpu.memory_space<hbm>> -> memref<128xi32, #tpu.memory_space<hbm>>
        %dma_start3A_56 = tpu.memref_slice %arg3[%mul3A_50] : memref<320000xi32, #tpu.memory_space<hbm>> -> memref<128xi32, #tpu.memory_space<hbm>>
        tpu.enqueue_dma source(%dma_start3A_56 : memref<128xi32, #tpu.memory_space<hbm>>) target(%arg10 : memref<128xi32, #tpu.memory_space<vmem>>) target_semaphore(%run_scoped3A : memref<!tpu.dma_semaphore, #tpu.memory_space<semaphore_mem>>)
        %dma_wait3A_57 = tpu.memref_slice %arg3[%mul3A_50] : memref<320000xi32, #tpu.memory_space<hbm>> -> memref<128xi32, #tpu.memory_space<hbm>>
        %dma_wait3A_58 = tpu.memref_slice %arg3[%mul3A_50] : memref<320000xi32, #tpu.memory_space<hbm>> -> memref<128xi32, #tpu.memory_space<hbm>>
        tpu.wait_dma2 semaphore(%run_scoped3A : memref<!tpu.dma_semaphore, #tpu.memory_space<semaphore_mem>>) src(%dma_wait3A_58 : memref<128xi32, #tpu.memory_space<hbm>>) dst(%arg10 : memref<128xi32, #tpu.memory_space<vmem>>)
        tpu.yield
      }) : () -> ()
      "tpu.region"() ({
        %run_scoped3A = tpu.sem_alloc : memref<!tpu.dma_semaphore, #tpu.memory_space<semaphore_mem>>
        %dma_start3A_55 = tpu.memref_slice %arg4[%mul3A_50] : memref<320000xi32, #tpu.memory_space<hbm>> -> memref<128xi32, #tpu.memory_space<hbm>>
        %dma_start3A_56 = tpu.memref_slice %arg4[%mul3A_50] : memref<320000xi32, #tpu.memory_space<hbm>> -> memref<128xi32, #tpu.memory_space<hbm>>
        tpu.enqueue_dma source(%dma_start3A_56 : memref<128xi32, #tpu.memory_space<hbm>>) target(%arg11 : memref<128xi32, #tpu.memory_space<vmem>>) target_semaphore(%run_scoped3A : memref<!tpu.dma_semaphore, #tpu.memory_space<semaphore_mem>>)
        %dma_wait3A_57 = tpu.memref_slice %arg4[%mul3A_50] : memref<320000xi32, #tpu.memory_space<hbm>> -> memref<128xi32, #tpu.memory_space<hbm>>
        %dma_wait3A_58 = tpu.memref_slice %arg4[%mul3A_50] : memref<320000xi32, #tpu.memory_space<hbm>> -> memref<128xi32, #tpu.memory_space<hbm>>
        tpu.wait_dma2 semaphore(%run_scoped3A : memref<!tpu.dma_semaphore, #tpu.memory_space<semaphore_mem>>) src(%dma_wait3A_58 : memref<128xi32, #tpu.memory_space<hbm>>) dst(%arg11 : memref<128xi32, #tpu.memory_space<vmem>>)
        tpu.yield
      }) : () -> ()
      %dma_start3A = arith.constant 0 : i32
      %dma_start3A_51 = arith.constant 0 : i32
      %dma_start3A_52 = tpu.memref_slice %arg2[%dma_start3A, %dma_start3A_51] : memref<10000x64xf32, #tpu.memory_space<hbm>> -> memref<10000x64xf32, #tpu.memory_space<hbm>>
      tpu.enqueue_indirect_dma source(%dma_start3A_52 : memref<10000x64xf32, #tpu.memory_space<hbm>>) target(%arg12 : memref<128x64xf32, #tpu.memory_space<vmem>>) offsets(%arg10 : memref<128xi32, #tpu.memory_space<vmem>>) semaphore(%arg14 : memref<!tpu.dma_semaphore, #tpu.memory_space<semaphore_mem>>)
      %dma_wait3A = arith.constant 0 : i32
      %dma_wait3A_53 = arith.constant 0 : i32
      %dma_wait3A_54 = tpu.memref_slice %arg2[%dma_wait3A, %dma_wait3A_53] : memref<10000x64xf32, #tpu.memory_space<hbm>> -> memref<10000x64xf32, #tpu.memory_space<hbm>>
      tpu.wait_indirect_dma semaphore(%arg14 : memref<!tpu.dma_semaphore, #tpu.memory_space<semaphore_mem>>) src(%dma_wait3A_54 : memref<10000x64xf32, #tpu.memory_space<hbm>>) dst(%arg12 : memref<128x64xf32, #tpu.memory_space<vmem>>)
      "tpu.region"() ({
        %run_scoped3A = tpu.sem_alloc : memref<!tpu.dma_semaphore, #tpu.memory_space<semaphore_mem>>
        %dma_start3A_55 = arith.constant 0 : i32
        %dma_start3A_56 = arith.constant 0 : i32
        %dma_start3A_57 = tpu.memref_slice %arg13[%dma_start3A_55, %dma_start3A_56] : memref<10240x64xf32, #tpu.memory_space<vmem_shared>> -> memref<10240x64xf32, #tpu.memory_space<vmem_shared>>
        tpu.enqueue_indirect_dma source(%arg12 : memref<128x64xf32, #tpu.memory_space<vmem>>) target(%dma_start3A_57 : memref<10240x64xf32, #tpu.memory_space<vmem_shared>>) offsets(%arg11 : memref<128xi32, #tpu.memory_space<vmem>>) semaphore(%run_scoped3A : memref<!tpu.dma_semaphore, #tpu.memory_space<semaphore_mem>>) {add = true}
        %dma_wait3A_58 = arith.constant 0 : i32
        %dma_wait3A_59 = arith.constant 0 : i32
        %dma_wait3A_60 = tpu.memref_slice %arg13[%dma_wait3A_58, %dma_wait3A_59] : memref<10240x64xf32, #tpu.memory_space<vmem_shared>> -> memref<10240x64xf32, #tpu.memory_space<vmem_shared>>
        tpu.wait_indirect_dma semaphore(%run_scoped3A : memref<!tpu.dma_semaphore, #tpu.memory_space<semaphore_mem>>) src(%arg12 : memref<128x64xf32, #tpu.memory_space<vmem>>) dst(%dma_wait3A_60 : memref<10240x64xf32, #tpu.memory_space<vmem_shared>>)
        tpu.yield
      }) : () -> ()
      "tpu.region"() ({
        %run_scoped3A = tpu.sem_alloc : memref<!tpu.dma_semaphore, #tpu.memory_space<semaphore_mem>>
        %dma_start3A_55 = arith.constant 0 : i32
        %dma_start3A_56 = arith.constant 0 : i32
        %dma_start3A_57 = tpu.memref_slice %arg16[%dma_start3A_55, %dma_start3A_56] : memref<10240x16xf32, #tpu.memory_space<vmem_shared>> -> memref<10240x16xf32, #tpu.memory_space<vmem_shared>>
        tpu.enqueue_indirect_dma source(%arg15 : memref<128x16xf32, #tpu.memory_space<vmem>>) target(%dma_start3A_57 : memref<10240x16xf32, #tpu.memory_space<vmem_shared>>) offsets(%arg11 : memref<128xi32, #tpu.memory_space<vmem>>) semaphore(%run_scoped3A : memref<!tpu.dma_semaphore, #tpu.memory_space<semaphore_mem>>) {add = true}
        %dma_wait3A_58 = arith.constant 0 : i32
        %dma_wait3A_59 = arith.constant 0 : i32
        %dma_wait3A_60 = tpu.memref_slice %arg16[%dma_wait3A_58, %dma_wait3A_59] : memref<10240x16xf32, #tpu.memory_space<vmem_shared>> -> memref<10240x16xf32, #tpu.memory_space<vmem_shared>>
        tpu.wait_indirect_dma semaphore(%run_scoped3A : memref<!tpu.dma_semaphore, #tpu.memory_space<semaphore_mem>>) src(%arg15 : memref<128x16xf32, #tpu.memory_space<vmem>>) dst(%dma_wait3A_60 : memref<10240x16xf32, #tpu.memory_space<vmem_shared>>)
        tpu.yield
      }) : () -> ()
    }
    %barrier3A_42 = arith.constant 0 : index
    tpu.barrier barrier_id(%barrier3A_42)
    %mul3A_43 = arith.constant 640 : i32
    %mul3A_44 = arith.muli %arg1, %mul3A_43 : i32
    "tpu.region"() ({
      %run_scoped3A = tpu.sem_alloc : memref<!tpu.dma_semaphore, #tpu.memory_space<semaphore_mem>>
      %dma_start3A = arith.constant 0 : i32
      %dma_start3A_45 = tpu.memref_slice %arg8[%arg0, %mul3A_44, %dma_start3A] : memref<2x10240x64xf32, #tpu.memory_space<hbm>> -> memref<1x640x64xf32, #tpu.memory_space<hbm>>
      %dma_start3A_46 = tpu.memref_squeeze %dma_start3A_45 : memref<1x640x64xf32, #tpu.memory_space<hbm>> -> memref<640x64xf32, #tpu.memory_space<hbm>>
      %dma_start3A_47 = arith.constant 0 : i32
      %dma_start3A_48 = tpu.memref_slice %arg13[%mul3A_44, %dma_start3A_47] : memref<10240x64xf32, #tpu.memory_space<vmem_shared>> -> memref<640x64xf32, #tpu.memory_space<vmem_shared>>
      tpu.enqueue_dma source(%dma_start3A_48 : memref<640x64xf32, #tpu.memory_space<vmem_shared>>) target(%dma_start3A_46 : memref<640x64xf32, #tpu.memory_space<hbm>>) target_semaphore(%run_scoped3A : memref<!tpu.dma_semaphore, #tpu.memory_space<semaphore_mem>>)
      %dma_wait3A = arith.constant 0 : i32
      %dma_wait3A_49 = tpu.memref_slice %arg8[%arg0, %mul3A_44, %dma_wait3A] : memref<2x10240x64xf32, #tpu.memory_space<hbm>> -> memref<1x640x64xf32, #tpu.memory_space<hbm>>
      %dma_wait3A_50 = tpu.memref_squeeze %dma_wait3A_49 : memref<1x640x64xf32, #tpu.memory_space<hbm>> -> memref<640x64xf32, #tpu.memory_space<hbm>>
      %dma_wait3A_51 = arith.constant 0 : i32
      %dma_wait3A_52 = tpu.memref_slice %arg13[%mul3A_44, %dma_wait3A_51] : memref<10240x64xf32, #tpu.memory_space<vmem_shared>> -> memref<640x64xf32, #tpu.memory_space<vmem_shared>>
      tpu.wait_dma2 semaphore(%run_scoped3A : memref<!tpu.dma_semaphore, #tpu.memory_space<semaphore_mem>>) src(%dma_wait3A_52 : memref<640x64xf32, #tpu.memory_space<vmem_shared>>) dst(%dma_wait3A_50 : memref<640x64xf32, #tpu.memory_space<hbm>>)
      tpu.yield
    }) : () -> ()
    "tpu.region"() ({
      %run_scoped3A = tpu.sem_alloc : memref<!tpu.dma_semaphore, #tpu.memory_space<semaphore_mem>>
      %dma_start3A = arith.constant 0 : i32
      %dma_start3A_45 = tpu.memref_slice %arg9[%arg0, %mul3A_44, %dma_start3A] : memref<2x10240x16xf32, #tpu.memory_space<hbm>> -> memref<1x640x16xf32, #tpu.memory_space<hbm>>
      %dma_start3A_46 = tpu.memref_squeeze %dma_start3A_45 : memref<1x640x16xf32, #tpu.memory_space<hbm>> -> memref<640x16xf32, #tpu.memory_space<hbm>>
      %dma_start3A_47 = arith.constant 0 : i32
      %dma_start3A_48 = tpu.memref_slice %arg16[%mul3A_44, %dma_start3A_47] : memref<10240x16xf32, #tpu.memory_space<vmem_shared>> -> memref<640x16xf32, #tpu.memory_space<vmem_shared>>
      tpu.enqueue_dma source(%dma_start3A_48 : memref<640x16xf32, #tpu.memory_space<vmem_shared>>) target(%dma_start3A_46 : memref<640x16xf32, #tpu.memory_space<hbm>>) target_semaphore(%run_scoped3A : memref<!tpu.dma_semaphore, #tpu.memory_space<semaphore_mem>>)
      %dma_wait3A = arith.constant 0 : i32
      %dma_wait3A_49 = tpu.memref_slice %arg9[%arg0, %mul3A_44, %dma_wait3A] : memref<2x10240x16xf32, #tpu.memory_space<hbm>> -> memref<1x640x16xf32, #tpu.memory_space<hbm>>
      %dma_wait3A_50 = tpu.memref_squeeze %dma_wait3A_49 : memref<1x640x16xf32, #tpu.memory_space<hbm>> -> memref<640x16xf32, #tpu.memory_space<hbm>>
      %dma_wait3A_51 = arith.constant 0 : i32
      %dma_wait3A_52 = tpu.memref_slice %arg16[%mul3A_44, %dma_wait3A_51] : memref<10240x16xf32, #tpu.memory_space<vmem_shared>> -> memref<640x16xf32, #tpu.memory_space<vmem_shared>>
      tpu.wait_dma2 semaphore(%run_scoped3A : memref<!tpu.dma_semaphore, #tpu.memory_space<semaphore_mem>>) src(%dma_wait3A_52 : memref<640x16xf32, #tpu.memory_space<vmem_shared>>) dst(%dma_wait3A_50 : memref<640x16xf32, #tpu.memory_space<hbm>>)
      tpu.yield
    }) : () -> ()
    return
  }
}

#map = affine_map<(d0, d1) -> (0, 0)>
#map1 = affine_map<(d0, d1) -> (0)>
#map2 = affine_map<(d0, d1) -> (0, 0, 0)>
module attributes {stable_mosaic.version = 14 : i64} {
  func.func @body(%arg0: i32, %arg1: i32, %arg2: memref<10000x64xf32, #tpu.memory_space<hbm>>, %arg3: memref<320000xi32, #tpu.memory_space<hbm>>, %arg4: memref<320000xi32, #tpu.memory_space<hbm>>, %arg5: memref<128x64xf32, #tpu.memory_space<hbm>>, %arg6: memref<2x10240x64xf32, #tpu.memory_space<hbm>>, %arg7: memref<128xi32, #tpu.memory_space<vmem>>, %arg8: memref<128xi32, #tpu.memory_space<vmem>>, %arg9: memref<128x64xf32, #tpu.memory_space<vmem>>, %arg10: memref<10240x64xf32, #tpu.memory_space<vmem_shared>>, %arg11: memref<!tpu.dma_semaphore, #tpu.memory_space<semaphore_mem>>) attributes {dimension_semantics = [#tpu.dimension_semantics<core_parallel>, #tpu.dimension_semantics<subcore_parallel>], iteration_bounds = array<i64: 2, 16>, scalar_prefetch = 0 : i64, scratch_operands = 5 : i64, tpu.core_type = #tpu.core_type<sc_vector_subcore>, window_params = [{transform_indices = #map}, {transform_indices = #map1}, {transform_indices = #map1}, {transform_indices = #map}, {transform_indices = #map2}]} {
    %mul3A = arith.constant 2 : i32
    %mul3A_0 = arith.muli %arg1, %mul3A : i32
    %add3A = arith.addi %mul3A_0, %arg0 : i32
    %mul3A_1 = arith.constant 5 : i32
    %mul3A_2 = arith.muli %arg1, %mul3A_1 : i32
    %add3A_3 = arith.constant 0 : i32
    %add3A_4 = arith.addi %mul3A_2, %add3A_3 : i32
    %mul3A_5 = arith.constant 128 : i32
    %mul3A_6 = arith.muli %add3A_4, %mul3A_5 : i32
    "tpu.region"() ({
      %run_scoped3A = tpu.sem_alloc : memref<!tpu.dma_semaphore, #tpu.memory_space<semaphore_mem>>
      %dma_start3A = arith.constant 0 : i32
      %dma_start3A_45 = tpu.memref_slice %arg10[%mul3A_6, %dma_start3A] : memref<10240x64xf32, #tpu.memory_space<vmem_shared>> -> memref<128x64xf32, #tpu.memory_space<vmem_shared>>
      tpu.enqueue_dma source(%arg5 : memref<128x64xf32, #tpu.memory_space<hbm>>) target(%dma_start3A_45 : memref<128x64xf32, #tpu.memory_space<vmem_shared>>) target_semaphore(%run_scoped3A : memref<!tpu.dma_semaphore, #tpu.memory_space<semaphore_mem>>)
      %dma_wait3A = arith.constant 0 : i32
      %dma_wait3A_46 = tpu.memref_slice %arg10[%mul3A_6, %dma_wait3A] : memref<10240x64xf32, #tpu.memory_space<vmem_shared>> -> memref<128x64xf32, #tpu.memory_space<vmem_shared>>
      tpu.wait_dma2 semaphore(%run_scoped3A : memref<!tpu.dma_semaphore, #tpu.memory_space<semaphore_mem>>) src(%arg5 : memref<128x64xf32, #tpu.memory_space<hbm>>) dst(%dma_wait3A_46 : memref<128x64xf32, #tpu.memory_space<vmem_shared>>)
      tpu.yield
    }) : () -> ()
    %mul3A_7 = arith.constant 5 : i32
    %mul3A_8 = arith.muli %arg1, %mul3A_7 : i32
    %add3A_9 = arith.constant 1 : i32
    %add3A_10 = arith.addi %mul3A_8, %add3A_9 : i32
    %mul3A_11 = arith.constant 128 : i32
    %mul3A_12 = arith.muli %add3A_10, %mul3A_11 : i32
    "tpu.region"() ({
      %run_scoped3A = tpu.sem_alloc : memref<!tpu.dma_semaphore, #tpu.memory_space<semaphore_mem>>
      %dma_start3A = arith.constant 0 : i32
      %dma_start3A_45 = tpu.memref_slice %arg10[%mul3A_12, %dma_start3A] : memref<10240x64xf32, #tpu.memory_space<vmem_shared>> -> memref<128x64xf32, #tpu.memory_space<vmem_shared>>
      tpu.enqueue_dma source(%arg5 : memref<128x64xf32, #tpu.memory_space<hbm>>) target(%dma_start3A_45 : memref<128x64xf32, #tpu.memory_space<vmem_shared>>) target_semaphore(%run_scoped3A : memref<!tpu.dma_semaphore, #tpu.memory_space<semaphore_mem>>)
      %dma_wait3A = arith.constant 0 : i32
      %dma_wait3A_46 = tpu.memref_slice %arg10[%mul3A_12, %dma_wait3A] : memref<10240x64xf32, #tpu.memory_space<vmem_shared>> -> memref<128x64xf32, #tpu.memory_space<vmem_shared>>
      tpu.wait_dma2 semaphore(%run_scoped3A : memref<!tpu.dma_semaphore, #tpu.memory_space<semaphore_mem>>) src(%arg5 : memref<128x64xf32, #tpu.memory_space<hbm>>) dst(%dma_wait3A_46 : memref<128x64xf32, #tpu.memory_space<vmem_shared>>)
      tpu.yield
    }) : () -> ()
    %mul3A_13 = arith.constant 5 : i32
    %mul3A_14 = arith.muli %arg1, %mul3A_13 : i32
    %add3A_15 = arith.constant 2 : i32
    %add3A_16 = arith.addi %mul3A_14, %add3A_15 : i32
    %mul3A_17 = arith.constant 128 : i32
    %mul3A_18 = arith.muli %add3A_16, %mul3A_17 : i32
    "tpu.region"() ({
      %run_scoped3A = tpu.sem_alloc : memref<!tpu.dma_semaphore, #tpu.memory_space<semaphore_mem>>
      %dma_start3A = arith.constant 0 : i32
      %dma_start3A_45 = tpu.memref_slice %arg10[%mul3A_18, %dma_start3A] : memref<10240x64xf32, #tpu.memory_space<vmem_shared>> -> memref<128x64xf32, #tpu.memory_space<vmem_shared>>
      tpu.enqueue_dma source(%arg5 : memref<128x64xf32, #tpu.memory_space<hbm>>) target(%dma_start3A_45 : memref<128x64xf32, #tpu.memory_space<vmem_shared>>) target_semaphore(%run_scoped3A : memref<!tpu.dma_semaphore, #tpu.memory_space<semaphore_mem>>)
      %dma_wait3A = arith.constant 0 : i32
      %dma_wait3A_46 = tpu.memref_slice %arg10[%mul3A_18, %dma_wait3A] : memref<10240x64xf32, #tpu.memory_space<vmem_shared>> -> memref<128x64xf32, #tpu.memory_space<vmem_shared>>
      tpu.wait_dma2 semaphore(%run_scoped3A : memref<!tpu.dma_semaphore, #tpu.memory_space<semaphore_mem>>) src(%arg5 : memref<128x64xf32, #tpu.memory_space<hbm>>) dst(%dma_wait3A_46 : memref<128x64xf32, #tpu.memory_space<vmem_shared>>)
      tpu.yield
    }) : () -> ()
    %mul3A_19 = arith.constant 5 : i32
    %mul3A_20 = arith.muli %arg1, %mul3A_19 : i32
    %add3A_21 = arith.constant 3 : i32
    %add3A_22 = arith.addi %mul3A_20, %add3A_21 : i32
    %mul3A_23 = arith.constant 128 : i32
    %mul3A_24 = arith.muli %add3A_22, %mul3A_23 : i32
    "tpu.region"() ({
      %run_scoped3A = tpu.sem_alloc : memref<!tpu.dma_semaphore, #tpu.memory_space<semaphore_mem>>
      %dma_start3A = arith.constant 0 : i32
      %dma_start3A_45 = tpu.memref_slice %arg10[%mul3A_24, %dma_start3A] : memref<10240x64xf32, #tpu.memory_space<vmem_shared>> -> memref<128x64xf32, #tpu.memory_space<vmem_shared>>
      tpu.enqueue_dma source(%arg5 : memref<128x64xf32, #tpu.memory_space<hbm>>) target(%dma_start3A_45 : memref<128x64xf32, #tpu.memory_space<vmem_shared>>) target_semaphore(%run_scoped3A : memref<!tpu.dma_semaphore, #tpu.memory_space<semaphore_mem>>)
      %dma_wait3A = arith.constant 0 : i32
      %dma_wait3A_46 = tpu.memref_slice %arg10[%mul3A_24, %dma_wait3A] : memref<10240x64xf32, #tpu.memory_space<vmem_shared>> -> memref<128x64xf32, #tpu.memory_space<vmem_shared>>
      tpu.wait_dma2 semaphore(%run_scoped3A : memref<!tpu.dma_semaphore, #tpu.memory_space<semaphore_mem>>) src(%arg5 : memref<128x64xf32, #tpu.memory_space<hbm>>) dst(%dma_wait3A_46 : memref<128x64xf32, #tpu.memory_space<vmem_shared>>)
      tpu.yield
    }) : () -> ()
    %mul3A_25 = arith.constant 5 : i32
    %mul3A_26 = arith.muli %arg1, %mul3A_25 : i32
    %add3A_27 = arith.constant 4 : i32
    %add3A_28 = arith.addi %mul3A_26, %add3A_27 : i32
    %mul3A_29 = arith.constant 128 : i32
    %mul3A_30 = arith.muli %add3A_28, %mul3A_29 : i32
    "tpu.region"() ({
      %run_scoped3A = tpu.sem_alloc : memref<!tpu.dma_semaphore, #tpu.memory_space<semaphore_mem>>
      %dma_start3A = arith.constant 0 : i32
      %dma_start3A_45 = tpu.memref_slice %arg10[%mul3A_30, %dma_start3A] : memref<10240x64xf32, #tpu.memory_space<vmem_shared>> -> memref<128x64xf32, #tpu.memory_space<vmem_shared>>
      tpu.enqueue_dma source(%arg5 : memref<128x64xf32, #tpu.memory_space<hbm>>) target(%dma_start3A_45 : memref<128x64xf32, #tpu.memory_space<vmem_shared>>) target_semaphore(%run_scoped3A : memref<!tpu.dma_semaphore, #tpu.memory_space<semaphore_mem>>)
      %dma_wait3A = arith.constant 0 : i32
      %dma_wait3A_46 = tpu.memref_slice %arg10[%mul3A_30, %dma_wait3A] : memref<10240x64xf32, #tpu.memory_space<vmem_shared>> -> memref<128x64xf32, #tpu.memory_space<vmem_shared>>
      tpu.wait_dma2 semaphore(%run_scoped3A : memref<!tpu.dma_semaphore, #tpu.memory_space<semaphore_mem>>) src(%arg5 : memref<128x64xf32, #tpu.memory_space<hbm>>) dst(%dma_wait3A_46 : memref<128x64xf32, #tpu.memory_space<vmem_shared>>)
      tpu.yield
    }) : () -> ()
    %barrier3A = arith.constant 0 : index
    tpu.barrier barrier_id(%barrier3A)
    %lt3A = arith.constant 4 : i32
    %lt3A_31 = arith.cmpi slt, %add3A, %lt3A : i32
    %jit3A = arith.constant 79 : i32
    %jit3A_32 = arith.constant 78 : i32
    %select_n3A = arith.select %lt3A_31, %jit3A, %jit3A_32 : i32
    %while3A = arith.constant 0 : i32
    %while3A_33 = arith.constant 0 : i32
    %while3A_34 = arith.subi %select_n3A, %while3A_33 : i32
    %while3A_35 = arith.addi %while3A_33, %while3A_34 : i32
    %while3A_36 = arith.constant 1 : i32
    %while3A_37 = arith.divsi %while3A_34, %while3A_36 : i32
    %while3A_38 = arith.muli %while3A_37, %while3A_36 : i32
    %while3A_39 = arith.addi %while3A_33, %while3A_38 : i32
    %while3A_40 = arith.constant 1 : i32
    scf.for %while3A_45 = %while3A_33 to %while3A_39 step %while3A_40  : i32 {
      %mul3A_46 = arith.constant 32 : i32
      %mul3A_47 = arith.muli %while3A_45, %mul3A_46 : i32
      %add3A_48 = arith.addi %add3A, %mul3A_47 : i32
      %mul3A_49 = arith.constant 128 : i32
      %mul3A_50 = arith.muli %add3A_48, %mul3A_49 : i32
      "tpu.region"() ({
        %run_scoped3A = tpu.sem_alloc : memref<!tpu.dma_semaphore, #tpu.memory_space<semaphore_mem>>
        %dma_start3A_55 = tpu.memref_slice %arg3[%mul3A_50] : memref<320000xi32, #tpu.memory_space<hbm>> -> memref<128xi32, #tpu.memory_space<hbm>>
        %dma_start3A_56 = tpu.memref_slice %arg3[%mul3A_50] : memref<320000xi32, #tpu.memory_space<hbm>> -> memref<128xi32, #tpu.memory_space<hbm>>
        tpu.enqueue_dma source(%dma_start3A_56 : memref<128xi32, #tpu.memory_space<hbm>>) target(%arg7 : memref<128xi32, #tpu.memory_space<vmem>>) target_semaphore(%run_scoped3A : memref<!tpu.dma_semaphore, #tpu.memory_space<semaphore_mem>>)
        %dma_wait3A_57 = tpu.memref_slice %arg3[%mul3A_50] : memref<320000xi32, #tpu.memory_space<hbm>> -> memref<128xi32, #tpu.memory_space<hbm>>
        %dma_wait3A_58 = tpu.memref_slice %arg3[%mul3A_50] : memref<320000xi32, #tpu.memory_space<hbm>> -> memref<128xi32, #tpu.memory_space<hbm>>
        tpu.wait_dma2 semaphore(%run_scoped3A : memref<!tpu.dma_semaphore, #tpu.memory_space<semaphore_mem>>) src(%dma_wait3A_58 : memref<128xi32, #tpu.memory_space<hbm>>) dst(%arg7 : memref<128xi32, #tpu.memory_space<vmem>>)
        tpu.yield
      }) : () -> ()
      "tpu.region"() ({
        %run_scoped3A = tpu.sem_alloc : memref<!tpu.dma_semaphore, #tpu.memory_space<semaphore_mem>>
        %dma_start3A_55 = tpu.memref_slice %arg4[%mul3A_50] : memref<320000xi32, #tpu.memory_space<hbm>> -> memref<128xi32, #tpu.memory_space<hbm>>
        %dma_start3A_56 = tpu.memref_slice %arg4[%mul3A_50] : memref<320000xi32, #tpu.memory_space<hbm>> -> memref<128xi32, #tpu.memory_space<hbm>>
        tpu.enqueue_dma source(%dma_start3A_56 : memref<128xi32, #tpu.memory_space<hbm>>) target(%arg8 : memref<128xi32, #tpu.memory_space<vmem>>) target_semaphore(%run_scoped3A : memref<!tpu.dma_semaphore, #tpu.memory_space<semaphore_mem>>)
        %dma_wait3A_57 = tpu.memref_slice %arg4[%mul3A_50] : memref<320000xi32, #tpu.memory_space<hbm>> -> memref<128xi32, #tpu.memory_space<hbm>>
        %dma_wait3A_58 = tpu.memref_slice %arg4[%mul3A_50] : memref<320000xi32, #tpu.memory_space<hbm>> -> memref<128xi32, #tpu.memory_space<hbm>>
        tpu.wait_dma2 semaphore(%run_scoped3A : memref<!tpu.dma_semaphore, #tpu.memory_space<semaphore_mem>>) src(%dma_wait3A_58 : memref<128xi32, #tpu.memory_space<hbm>>) dst(%arg8 : memref<128xi32, #tpu.memory_space<vmem>>)
        tpu.yield
      }) : () -> ()
      %dma_start3A = arith.constant 0 : i32
      %dma_start3A_51 = arith.constant 0 : i32
      %dma_start3A_52 = tpu.memref_slice %arg2[%dma_start3A, %dma_start3A_51] : memref<10000x64xf32, #tpu.memory_space<hbm>> -> memref<10000x64xf32, #tpu.memory_space<hbm>>
      tpu.enqueue_indirect_dma source(%dma_start3A_52 : memref<10000x64xf32, #tpu.memory_space<hbm>>) target(%arg9 : memref<128x64xf32, #tpu.memory_space<vmem>>) offsets(%arg7 : memref<128xi32, #tpu.memory_space<vmem>>) semaphore(%arg11 : memref<!tpu.dma_semaphore, #tpu.memory_space<semaphore_mem>>)
      %dma_wait3A = arith.constant 0 : i32
      %dma_wait3A_53 = arith.constant 0 : i32
      %dma_wait3A_54 = tpu.memref_slice %arg2[%dma_wait3A, %dma_wait3A_53] : memref<10000x64xf32, #tpu.memory_space<hbm>> -> memref<10000x64xf32, #tpu.memory_space<hbm>>
      tpu.wait_indirect_dma semaphore(%arg11 : memref<!tpu.dma_semaphore, #tpu.memory_space<semaphore_mem>>) src(%dma_wait3A_54 : memref<10000x64xf32, #tpu.memory_space<hbm>>) dst(%arg9 : memref<128x64xf32, #tpu.memory_space<vmem>>)
      "tpu.region"() ({
        %run_scoped3A = tpu.sem_alloc : memref<!tpu.dma_semaphore, #tpu.memory_space<semaphore_mem>>
        %dma_start3A_55 = arith.constant 0 : i32
        %dma_start3A_56 = arith.constant 0 : i32
        %dma_start3A_57 = tpu.memref_slice %arg10[%dma_start3A_55, %dma_start3A_56] : memref<10240x64xf32, #tpu.memory_space<vmem_shared>> -> memref<10240x64xf32, #tpu.memory_space<vmem_shared>>
        tpu.enqueue_indirect_dma source(%arg9 : memref<128x64xf32, #tpu.memory_space<vmem>>) target(%dma_start3A_57 : memref<10240x64xf32, #tpu.memory_space<vmem_shared>>) offsets(%arg8 : memref<128xi32, #tpu.memory_space<vmem>>) semaphore(%run_scoped3A : memref<!tpu.dma_semaphore, #tpu.memory_space<semaphore_mem>>) {add = true}
        %dma_wait3A_58 = arith.constant 0 : i32
        %dma_wait3A_59 = arith.constant 0 : i32
        %dma_wait3A_60 = tpu.memref_slice %arg10[%dma_wait3A_58, %dma_wait3A_59] : memref<10240x64xf32, #tpu.memory_space<vmem_shared>> -> memref<10240x64xf32, #tpu.memory_space<vmem_shared>>
        tpu.wait_indirect_dma semaphore(%run_scoped3A : memref<!tpu.dma_semaphore, #tpu.memory_space<semaphore_mem>>) src(%arg9 : memref<128x64xf32, #tpu.memory_space<vmem>>) dst(%dma_wait3A_60 : memref<10240x64xf32, #tpu.memory_space<vmem_shared>>)
        tpu.yield
      }) : () -> ()
    }
    %while3A_41 = arith.constant 1 : i32
    scf.for %while3A_45 = %while3A_39 to %while3A_35 step %while3A_41  : i32 {
      %mul3A_46 = arith.constant 32 : i32
      %mul3A_47 = arith.muli %while3A_45, %mul3A_46 : i32
      %add3A_48 = arith.addi %add3A, %mul3A_47 : i32
      %mul3A_49 = arith.constant 128 : i32
      %mul3A_50 = arith.muli %add3A_48, %mul3A_49 : i32
      "tpu.region"() ({
        %run_scoped3A = tpu.sem_alloc : memref<!tpu.dma_semaphore, #tpu.memory_space<semaphore_mem>>
        %dma_start3A_55 = tpu.memref_slice %arg3[%mul3A_50] : memref<320000xi32, #tpu.memory_space<hbm>> -> memref<128xi32, #tpu.memory_space<hbm>>
        %dma_start3A_56 = tpu.memref_slice %arg3[%mul3A_50] : memref<320000xi32, #tpu.memory_space<hbm>> -> memref<128xi32, #tpu.memory_space<hbm>>
        tpu.enqueue_dma source(%dma_start3A_56 : memref<128xi32, #tpu.memory_space<hbm>>) target(%arg7 : memref<128xi32, #tpu.memory_space<vmem>>) target_semaphore(%run_scoped3A : memref<!tpu.dma_semaphore, #tpu.memory_space<semaphore_mem>>)
        %dma_wait3A_57 = tpu.memref_slice %arg3[%mul3A_50] : memref<320000xi32, #tpu.memory_space<hbm>> -> memref<128xi32, #tpu.memory_space<hbm>>
        %dma_wait3A_58 = tpu.memref_slice %arg3[%mul3A_50] : memref<320000xi32, #tpu.memory_space<hbm>> -> memref<128xi32, #tpu.memory_space<hbm>>
        tpu.wait_dma2 semaphore(%run_scoped3A : memref<!tpu.dma_semaphore, #tpu.memory_space<semaphore_mem>>) src(%dma_wait3A_58 : memref<128xi32, #tpu.memory_space<hbm>>) dst(%arg7 : memref<128xi32, #tpu.memory_space<vmem>>)
        tpu.yield
      }) : () -> ()
      "tpu.region"() ({
        %run_scoped3A = tpu.sem_alloc : memref<!tpu.dma_semaphore, #tpu.memory_space<semaphore_mem>>
        %dma_start3A_55 = tpu.memref_slice %arg4[%mul3A_50] : memref<320000xi32, #tpu.memory_space<hbm>> -> memref<128xi32, #tpu.memory_space<hbm>>
        %dma_start3A_56 = tpu.memref_slice %arg4[%mul3A_50] : memref<320000xi32, #tpu.memory_space<hbm>> -> memref<128xi32, #tpu.memory_space<hbm>>
        tpu.enqueue_dma source(%dma_start3A_56 : memref<128xi32, #tpu.memory_space<hbm>>) target(%arg8 : memref<128xi32, #tpu.memory_space<vmem>>) target_semaphore(%run_scoped3A : memref<!tpu.dma_semaphore, #tpu.memory_space<semaphore_mem>>)
        %dma_wait3A_57 = tpu.memref_slice %arg4[%mul3A_50] : memref<320000xi32, #tpu.memory_space<hbm>> -> memref<128xi32, #tpu.memory_space<hbm>>
        %dma_wait3A_58 = tpu.memref_slice %arg4[%mul3A_50] : memref<320000xi32, #tpu.memory_space<hbm>> -> memref<128xi32, #tpu.memory_space<hbm>>
        tpu.wait_dma2 semaphore(%run_scoped3A : memref<!tpu.dma_semaphore, #tpu.memory_space<semaphore_mem>>) src(%dma_wait3A_58 : memref<128xi32, #tpu.memory_space<hbm>>) dst(%arg8 : memref<128xi32, #tpu.memory_space<vmem>>)
        tpu.yield
      }) : () -> ()
      %dma_start3A = arith.constant 0 : i32
      %dma_start3A_51 = arith.constant 0 : i32
      %dma_start3A_52 = tpu.memref_slice %arg2[%dma_start3A, %dma_start3A_51] : memref<10000x64xf32, #tpu.memory_space<hbm>> -> memref<10000x64xf32, #tpu.memory_space<hbm>>
      tpu.enqueue_indirect_dma source(%dma_start3A_52 : memref<10000x64xf32, #tpu.memory_space<hbm>>) target(%arg9 : memref<128x64xf32, #tpu.memory_space<vmem>>) offsets(%arg7 : memref<128xi32, #tpu.memory_space<vmem>>) semaphore(%arg11 : memref<!tpu.dma_semaphore, #tpu.memory_space<semaphore_mem>>)
      %dma_wait3A = arith.constant 0 : i32
      %dma_wait3A_53 = arith.constant 0 : i32
      %dma_wait3A_54 = tpu.memref_slice %arg2[%dma_wait3A, %dma_wait3A_53] : memref<10000x64xf32, #tpu.memory_space<hbm>> -> memref<10000x64xf32, #tpu.memory_space<hbm>>
      tpu.wait_indirect_dma semaphore(%arg11 : memref<!tpu.dma_semaphore, #tpu.memory_space<semaphore_mem>>) src(%dma_wait3A_54 : memref<10000x64xf32, #tpu.memory_space<hbm>>) dst(%arg9 : memref<128x64xf32, #tpu.memory_space<vmem>>)
      "tpu.region"() ({
        %run_scoped3A = tpu.sem_alloc : memref<!tpu.dma_semaphore, #tpu.memory_space<semaphore_mem>>
        %dma_start3A_55 = arith.constant 0 : i32
        %dma_start3A_56 = arith.constant 0 : i32
        %dma_start3A_57 = tpu.memref_slice %arg10[%dma_start3A_55, %dma_start3A_56] : memref<10240x64xf32, #tpu.memory_space<vmem_shared>> -> memref<10240x64xf32, #tpu.memory_space<vmem_shared>>
        tpu.enqueue_indirect_dma source(%arg9 : memref<128x64xf32, #tpu.memory_space<vmem>>) target(%dma_start3A_57 : memref<10240x64xf32, #tpu.memory_space<vmem_shared>>) offsets(%arg8 : memref<128xi32, #tpu.memory_space<vmem>>) semaphore(%run_scoped3A : memref<!tpu.dma_semaphore, #tpu.memory_space<semaphore_mem>>) {add = true}
        %dma_wait3A_58 = arith.constant 0 : i32
        %dma_wait3A_59 = arith.constant 0 : i32
        %dma_wait3A_60 = tpu.memref_slice %arg10[%dma_wait3A_58, %dma_wait3A_59] : memref<10240x64xf32, #tpu.memory_space<vmem_shared>> -> memref<10240x64xf32, #tpu.memory_space<vmem_shared>>
        tpu.wait_indirect_dma semaphore(%run_scoped3A : memref<!tpu.dma_semaphore, #tpu.memory_space<semaphore_mem>>) src(%arg9 : memref<128x64xf32, #tpu.memory_space<vmem>>) dst(%dma_wait3A_60 : memref<10240x64xf32, #tpu.memory_space<vmem_shared>>)
        tpu.yield
      }) : () -> ()
    }
    %barrier3A_42 = arith.constant 0 : index
    tpu.barrier barrier_id(%barrier3A_42)
    %mul3A_43 = arith.constant 640 : i32
    %mul3A_44 = arith.muli %arg1, %mul3A_43 : i32
    "tpu.region"() ({
      %run_scoped3A = tpu.sem_alloc : memref<!tpu.dma_semaphore, #tpu.memory_space<semaphore_mem>>
      %dma_start3A = arith.constant 0 : i32
      %dma_start3A_45 = tpu.memref_slice %arg6[%arg0, %mul3A_44, %dma_start3A] : memref<2x10240x64xf32, #tpu.memory_space<hbm>> -> memref<1x640x64xf32, #tpu.memory_space<hbm>>
      %dma_start3A_46 = tpu.memref_squeeze %dma_start3A_45 : memref<1x640x64xf32, #tpu.memory_space<hbm>> -> memref<640x64xf32, #tpu.memory_space<hbm>>
      %dma_start3A_47 = arith.constant 0 : i32
      %dma_start3A_48 = tpu.memref_slice %arg10[%mul3A_44, %dma_start3A_47] : memref<10240x64xf32, #tpu.memory_space<vmem_shared>> -> memref<640x64xf32, #tpu.memory_space<vmem_shared>>
      tpu.enqueue_dma source(%dma_start3A_48 : memref<640x64xf32, #tpu.memory_space<vmem_shared>>) target(%dma_start3A_46 : memref<640x64xf32, #tpu.memory_space<hbm>>) target_semaphore(%run_scoped3A : memref<!tpu.dma_semaphore, #tpu.memory_space<semaphore_mem>>)
      %dma_wait3A = arith.constant 0 : i32
      %dma_wait3A_49 = tpu.memref_slice %arg6[%arg0, %mul3A_44, %dma_wait3A] : memref<2x10240x64xf32, #tpu.memory_space<hbm>> -> memref<1x640x64xf32, #tpu.memory_space<hbm>>
      %dma_wait3A_50 = tpu.memref_squeeze %dma_wait3A_49 : memref<1x640x64xf32, #tpu.memory_space<hbm>> -> memref<640x64xf32, #tpu.memory_space<hbm>>
      %dma_wait3A_51 = arith.constant 0 : i32
      %dma_wait3A_52 = tpu.memref_slice %arg10[%mul3A_44, %dma_wait3A_51] : memref<10240x64xf32, #tpu.memory_space<vmem_shared>> -> memref<640x64xf32, #tpu.memory_space<vmem_shared>>
      tpu.wait_dma2 semaphore(%run_scoped3A : memref<!tpu.dma_semaphore, #tpu.memory_space<semaphore_mem>>) src(%dma_wait3A_52 : memref<640x64xf32, #tpu.memory_space<vmem_shared>>) dst(%dma_wait3A_50 : memref<640x64xf32, #tpu.memory_space<hbm>>)
      tpu.yield
    }) : () -> ()
    return
  }
}

module attributes {stable_mosaic.version = 14 : i64} {
  func.func @_tc0_body(%arg0: memref<10000x128xf32, #tpu.memory_space<vmem>>, %arg1: memref<128x64xf32, #tpu.memory_space<vmem>>, %arg2: memref<128x64xf32, #tpu.memory_space<vmem>>, %arg3: memref<1x64xf32, #tpu.memory_space<vmem>>, %arg4: memref<10000x64xf32, #tpu.memory_space<vmem>>, %arg5: memref<10000x64xf32, #tpu.memory_space<vmem>>) attributes {dimension_semantics = [], scalar_prefetch = 0 : i64, scratch_operands = 0 : i64, tpu.core_type = #tpu.core_type<tc>} {
    %get3A = arith.constant 0 : index
    %get3A_0 = arith.constant 0 : index
    %get3A_1 = vector.load %arg0[%get3A, %get3A_0] : memref<10000x128xf32, #tpu.memory_space<vmem>>, vector<10000x128xf32>
    %get3A_2 = arith.constant 0 : index
    %get3A_3 = arith.constant 0 : index
    %get3A_4 = vector.load %arg1[%get3A_2, %get3A_3] : memref<128x64xf32, #tpu.memory_space<vmem>>, vector<128x64xf32>
    %dot_general3A = arith.constant dense<0.000000e+00> : vector<10000x64xf32>
    %dot_general3A_5 = tpu.matmul %get3A_1, %get3A_4, %dot_general3A {dimension_numbers = #tpu.dot_dimension_numbers<[1], [0], [0], [1], [0, 0, 1, 1], [], []>, transpose_lhs_hint = false} : vector<10000x128xf32>, vector<128x64xf32>, vector<10000x64xf32> -> vector<10000x64xf32>
    %swap3A = arith.constant 0 : index
    %swap3A_6 = arith.constant 0 : index
    %swap3A_7 = vector.load %arg4[%swap3A, %swap3A_6] : memref<10000x64xf32, #tpu.memory_space<vmem>>, vector<10000x64xf32>
    tpu.vector_store %arg4[%swap3A, %swap3A_6], %dot_general3A_5 {strides = array<i32>} : memref<10000x64xf32, #tpu.memory_space<vmem>>, vector<10000x64xf32>,
    %get3A_8 = arith.constant 0 : index
    %get3A_9 = arith.constant 0 : index
    %get3A_10 = vector.load %arg2[%get3A_8, %get3A_9] : memref<128x64xf32, #tpu.memory_space<vmem>>, vector<128x64xf32>
    %dot_general3A_11 = arith.constant dense<0.000000e+00> : vector<10000x64xf32>
    %dot_general3A_12 = tpu.matmul %get3A_1, %get3A_10, %dot_general3A_11 {dimension_numbers = #tpu.dot_dimension_numbers<[1], [0], [0], [1], [0, 0, 1, 1], [], []>, transpose_lhs_hint = false} : vector<10000x128xf32>, vector<128x64xf32>, vector<10000x64xf32> -> vector<10000x64xf32>
    %get3A_13 = arith.constant 0 : index
    %get3A_14 = arith.constant 0 : index
    %get3A_15 = vector.load %arg3[%get3A_13, %get3A_14] : memref<1x64xf32, #tpu.memory_space<vmem>>, vector<1x64xf32>
    %add3A = vector.broadcast %get3A_15 : vector<1x64xf32> to vector<10000x64xf32>
    %add3A_16 = arith.addf %dot_general3A_12, %add3A : vector<10000x64xf32>
    %swap3A_17 = arith.constant 0 : index
    %swap3A_18 = arith.constant 0 : index
    %swap3A_19 = vector.load %arg5[%swap3A_17, %swap3A_18] : memref<10000x64xf32, #tpu.memory_space<vmem>>, vector<10000x64xf32>
    tpu.vector_store %arg5[%swap3A_17, %swap3A_18], %add3A_16 {strides = array<i32>} : memref<10000x64xf32, #tpu.memory_space<vmem>>, vector<10000x64xf32>,
    return
  }
}

module attributes {stable_mosaic.version = 14 : i64} {
  func.func @_tc1_body(%arg0: memref<2x10240x64xf32, #tpu.memory_space<vmem>>, %arg1: memref<2x10240x16xf32, #tpu.memory_space<vmem>>, %arg2: memref<10000x64xf32, #tpu.memory_space<vmem>>, %arg3: memref<1x64xf32, #tpu.memory_space<vmem>>, %arg4: memref<1x64xf32, #tpu.memory_space<vmem>>, %arg5: memref<64x64xf32, #tpu.memory_space<vmem>>, %arg6: memref<64x64xf32, #tpu.memory_space<vmem>>, %arg7: memref<1x64xf32, #tpu.memory_space<vmem>>, %arg8: memref<10000x64xf32, #tpu.memory_space<vmem>>, %arg9: memref<10000x64xf32, #tpu.memory_space<vmem>>, %arg10: memref<10000x64xf32, #tpu.memory_space<vmem>>) attributes {dimension_semantics = [], scalar_prefetch = 0 : i64, scratch_operands = 0 : i64, tpu.core_type = #tpu.core_type<tc>} {
    %get3A = arith.constant 0 : index
    %get3A_0 = arith.constant 0 : index
    %get3A_1 = arith.constant 0 : index
    %get3A_2 = vector.load %arg0[%get3A, %get3A_0, %get3A_1] : memref<2x10240x64xf32, #tpu.memory_space<vmem>>, vector<1x10000x64xf32>
    %get3A_3 = vector.shape_cast %get3A_2 : vector<1x10000x64xf32> to vector<10000x64xf32>
    %get3A_4 = arith.constant 1 : index
    %get3A_5 = arith.constant 0 : index
    %get3A_6 = arith.constant 0 : index
    %get3A_7 = vector.load %arg0[%get3A_4, %get3A_5, %get3A_6] : memref<2x10240x64xf32, #tpu.memory_space<vmem>>, vector<1x10000x64xf32>
    %get3A_8 = vector.shape_cast %get3A_7 : vector<1x10000x64xf32> to vector<10000x64xf32>
    %add3A = arith.addf %get3A_3, %get3A_8 : vector<10000x64xf32>
    %get3A_9 = arith.constant 0 : index
    %get3A_10 = arith.constant 0 : index
    %get3A_11 = arith.constant 0 : index
    %get3A_12 = vector.load %arg1[%get3A_9, %get3A_10, %get3A_11] : memref<2x10240x16xf32, #tpu.memory_space<vmem>>, vector<1x10000x1xf32>
    %get3A_13 = vector.shape_cast %get3A_12 : vector<1x10000x1xf32> to vector<10000x1xf32>
    %get3A_14 = arith.constant 1 : index
    %get3A_15 = arith.constant 0 : index
    %get3A_16 = arith.constant 0 : index
    %get3A_17 = vector.load %arg1[%get3A_14, %get3A_15, %get3A_16] : memref<2x10240x16xf32, #tpu.memory_space<vmem>>, vector<1x10000x1xf32>
    %get3A_18 = vector.shape_cast %get3A_17 : vector<1x10000x1xf32> to vector<10000x1xf32>
    %add3A_19 = arith.addf %get3A_13, %get3A_18 : vector<10000x1xf32>
    %max3A = arith.constant 1.000000e+00 : f32
    %max3A_20 = vector.broadcast %max3A : f32 to vector<10000x1xf32>
    %max3A_21 = arith.maximumf %add3A_19, %max3A_20 : vector<10000x1xf32>
    %div3A = vector.broadcast %max3A_21 : vector<10000x1xf32> to vector<10000x64xf32>
    %div3A_22 = arith.divf %add3A, %div3A : vector<10000x64xf32>
    %get3A_23 = arith.constant 0 : index
    %get3A_24 = arith.constant 0 : index
    %get3A_25 = vector.load %arg2[%get3A_23, %get3A_24] : memref<10000x64xf32, #tpu.memory_space<vmem>>, vector<10000x64xf32>
    %add3A_26 = arith.addf %div3A_22, %get3A_25 : vector<10000x64xf32>
    %reduce_sum3A = arith.constant dense<0.000000e+00> : vector<64xf32>
    %reduce_sum3A_27 = vector.multi_reduction <add>, %add3A_26, %reduce_sum3A [0] : vector<10000x64xf32> to vector<64xf32>
    %broadcast_in_dim3A = vector.shape_cast %reduce_sum3A_27 : vector<64xf32> to vector<1x64xf32>
    %div3A_28 = arith.constant 1.000000e+04 : f32
    %div3A_29 = vector.broadcast %div3A_28 : f32 to vector<1x64xf32>
    %div3A_30 = arith.divf %broadcast_in_dim3A, %div3A_29 : vector<1x64xf32>
    %sub3A = vector.broadcast %div3A_30 : vector<1x64xf32> to vector<10000x64xf32>
    %sub3A_31 = arith.subf %add3A_26, %sub3A : vector<10000x64xf32>
    %sub3A_32 = vector.broadcast %div3A_30 : vector<1x64xf32> to vector<10000x64xf32>
    %sub3A_33 = arith.subf %add3A_26, %sub3A_32 : vector<10000x64xf32>
    %mul3A = arith.mulf %sub3A_31, %sub3A_33 : vector<10000x64xf32>
    %reduce_sum3A_34 = arith.constant dense<0.000000e+00> : vector<64xf32>
    %reduce_sum3A_35 = vector.multi_reduction <add>, %mul3A, %reduce_sum3A_34 [0] : vector<10000x64xf32> to vector<64xf32>
    %broadcast_in_dim3A_36 = vector.shape_cast %reduce_sum3A_35 : vector<64xf32> to vector<1x64xf32>
    %div3A_37 = arith.constant 1.000000e+04 : f32
    %div3A_38 = vector.broadcast %div3A_37 : f32 to vector<1x64xf32>
    %div3A_39 = arith.divf %broadcast_in_dim3A_36, %div3A_38 : vector<1x64xf32>
    %get3A_40 = arith.constant 0 : index
    %get3A_41 = arith.constant 0 : index
    %get3A_42 = vector.load %arg3[%get3A_40, %get3A_41] : memref<1x64xf32, #tpu.memory_space<vmem>>, vector<1x64xf32>
    %sub3A_43 = vector.broadcast %div3A_30 : vector<1x64xf32> to vector<10000x64xf32>
    %sub3A_44 = arith.subf %add3A_26, %sub3A_43 : vector<10000x64xf32>
    %mul3A_45 = vector.broadcast %get3A_42 : vector<1x64xf32> to vector<10000x64xf32>
    %mul3A_46 = arith.mulf %mul3A_45, %sub3A_44 : vector<10000x64xf32>
    %add3A_47 = arith.constant 9.99999974E-6 : f32
    %add3A_48 = vector.broadcast %add3A_47 : f32 to vector<1x64xf32>
    %add3A_49 = arith.addf %div3A_39, %add3A_48 : vector<1x64xf32>
    %sqrt3A = math.sqrt %add3A_49 : vector<1x64xf32>
    %div3A_50 = vector.broadcast %sqrt3A : vector<1x64xf32> to vector<10000x64xf32>
    %div3A_51 = arith.divf %mul3A_46, %div3A_50 : vector<10000x64xf32>
    %get3A_52 = arith.constant 0 : index
    %get3A_53 = arith.constant 0 : index
    %get3A_54 = vector.load %arg4[%get3A_52, %get3A_53] : memref<1x64xf32, #tpu.memory_space<vmem>>, vector<1x64xf32>
    %add3A_55 = vector.broadcast %get3A_54 : vector<1x64xf32> to vector<10000x64xf32>
    %add3A_56 = arith.addf %div3A_51, %add3A_55 : vector<10000x64xf32>
    %max3A_57 = arith.constant 0.000000e+00 : f32
    %max3A_58 = vector.broadcast %max3A_57 : f32 to vector<10000x64xf32>
    %max3A_59 = arith.maximumf %add3A_56, %max3A_58 : vector<10000x64xf32>
    %swap3A = arith.constant 0 : index
    %swap3A_60 = arith.constant 0 : index
    %swap3A_61 = vector.load %arg8[%swap3A, %swap3A_60] : memref<10000x64xf32, #tpu.memory_space<vmem>>, vector<10000x64xf32>
    tpu.vector_store %arg8[%swap3A, %swap3A_60], %max3A_59 {strides = array<i32>} : memref<10000x64xf32, #tpu.memory_space<vmem>>, vector<10000x64xf32>,
    %get3A_62 = arith.constant 0 : index
    %get3A_63 = arith.constant 0 : index
    %get3A_64 = vector.load %arg5[%get3A_62, %get3A_63] : memref<64x64xf32, #tpu.memory_space<vmem>>, vector<64x64xf32>
    %dot_general3A = arith.constant dense<0.000000e+00> : vector<10000x64xf32>
    %dot_general3A_65 = tpu.matmul %max3A_59, %get3A_64, %dot_general3A {dimension_numbers = #tpu.dot_dimension_numbers<[1], [0], [0], [1], [0, 0, 1, 1], [], []>, transpose_lhs_hint = false} : vector<10000x64xf32>, vector<64x64xf32>, vector<10000x64xf32> -> vector<10000x64xf32>
    %swap3A_66 = arith.constant 0 : index
    %swap3A_67 = arith.constant 0 : index
    %swap3A_68 = vector.load %arg9[%swap3A_66, %swap3A_67] : memref<10000x64xf32, #tpu.memory_space<vmem>>, vector<10000x64xf32>
    tpu.vector_store %arg9[%swap3A_66, %swap3A_67], %dot_general3A_65 {strides = array<i32>} : memref<10000x64xf32, #tpu.memory_space<vmem>>, vector<10000x64xf32>,
    %get3A_69 = arith.constant 0 : index
    %get3A_70 = arith.constant 0 : index
    %get3A_71 = vector.load %arg6[%get3A_69, %get3A_70] : memref<64x64xf32, #tpu.memory_space<vmem>>, vector<64x64xf32>
    %dot_general3A_72 = arith.constant dense<0.000000e+00> : vector<10000x64xf32>
    %dot_general3A_73 = tpu.matmul %max3A_59, %get3A_71, %dot_general3A_72 {dimension_numbers = #tpu.dot_dimension_numbers<[1], [0], [0], [1], [0, 0, 1, 1], [], []>, transpose_lhs_hint = false} : vector<10000x64xf32>, vector<64x64xf32>, vector<10000x64xf32> -> vector<10000x64xf32>
    %get3A_74 = arith.constant 0 : index
    %get3A_75 = arith.constant 0 : index
    %get3A_76 = vector.load %arg7[%get3A_74, %get3A_75] : memref<1x64xf32, #tpu.memory_space<vmem>>, vector<1x64xf32>
    %add3A_77 = vector.broadcast %get3A_76 : vector<1x64xf32> to vector<10000x64xf32>
    %add3A_78 = arith.addf %dot_general3A_73, %add3A_77 : vector<10000x64xf32>
    %swap3A_79 = arith.constant 0 : index
    %swap3A_80 = arith.constant 0 : index
    %swap3A_81 = vector.load %arg10[%swap3A_79, %swap3A_80] : memref<10000x64xf32, #tpu.memory_space<vmem>>, vector<10000x64xf32>
    tpu.vector_store %arg10[%swap3A_79, %swap3A_80], %add3A_78 {strides = array<i32>} : memref<10000x64xf32, #tpu.memory_space<vmem>>, vector<10000x64xf32>,
    return
  }
}

module attributes {stable_mosaic.version = 14 : i64} {
  func.func @_tc2_body(%arg0: memref<2x10240x64xf32, #tpu.memory_space<vmem>>, %arg1: memref<2x10240x16xf32, #tpu.memory_space<vmem>>, %arg2: memref<10000x64xf32, #tpu.memory_space<vmem>>, %arg3: memref<10000x64xf32, #tpu.memory_space<vmem>>, %arg4: memref<1x64xf32, #tpu.memory_space<vmem>>, %arg5: memref<1x64xf32, #tpu.memory_space<vmem>>, %arg6: memref<64x64xf32, #tpu.memory_space<vmem>>, %arg7: memref<64x64xf32, #tpu.memory_space<vmem>>, %arg8: memref<1x64xf32, #tpu.memory_space<vmem>>, %arg9: memref<10000x64xf32, #tpu.memory_space<vmem>>, %arg10: memref<10000x64xf32, #tpu.memory_space<vmem>>) attributes {dimension_semantics = [], scalar_prefetch = 0 : i64, scratch_operands = 0 : i64, tpu.core_type = #tpu.core_type<tc>} {
    %get3A = arith.constant 0 : index
    %get3A_0 = arith.constant 0 : index
    %get3A_1 = arith.constant 0 : index
    %get3A_2 = vector.load %arg0[%get3A, %get3A_0, %get3A_1] : memref<2x10240x64xf32, #tpu.memory_space<vmem>>, vector<1x10000x64xf32>
    %get3A_3 = vector.shape_cast %get3A_2 : vector<1x10000x64xf32> to vector<10000x64xf32>
    %get3A_4 = arith.constant 1 : index
    %get3A_5 = arith.constant 0 : index
    %get3A_6 = arith.constant 0 : index
    %get3A_7 = vector.load %arg0[%get3A_4, %get3A_5, %get3A_6] : memref<2x10240x64xf32, #tpu.memory_space<vmem>>, vector<1x10000x64xf32>
    %get3A_8 = vector.shape_cast %get3A_7 : vector<1x10000x64xf32> to vector<10000x64xf32>
    %add3A = arith.addf %get3A_3, %get3A_8 : vector<10000x64xf32>
    %get3A_9 = arith.constant 0 : index
    %get3A_10 = arith.constant 0 : index
    %get3A_11 = arith.constant 0 : index
    %get3A_12 = vector.load %arg1[%get3A_9, %get3A_10, %get3A_11] : memref<2x10240x16xf32, #tpu.memory_space<vmem>>, vector<1x10000x1xf32>
    %get3A_13 = vector.shape_cast %get3A_12 : vector<1x10000x1xf32> to vector<10000x1xf32>
    %get3A_14 = arith.constant 1 : index
    %get3A_15 = arith.constant 0 : index
    %get3A_16 = arith.constant 0 : index
    %get3A_17 = vector.load %arg1[%get3A_14, %get3A_15, %get3A_16] : memref<2x10240x16xf32, #tpu.memory_space<vmem>>, vector<1x10000x1xf32>
    %get3A_18 = vector.shape_cast %get3A_17 : vector<1x10000x1xf32> to vector<10000x1xf32>
    %add3A_19 = arith.addf %get3A_13, %get3A_18 : vector<10000x1xf32>
    %max3A = arith.constant 1.000000e+00 : f32
    %max3A_20 = vector.broadcast %max3A : f32 to vector<10000x1xf32>
    %max3A_21 = arith.maximumf %add3A_19, %max3A_20 : vector<10000x1xf32>
    %div3A = vector.broadcast %max3A_21 : vector<10000x1xf32> to vector<10000x64xf32>
    %div3A_22 = arith.divf %add3A, %div3A : vector<10000x64xf32>
    %get3A_23 = arith.constant 0 : index
    %get3A_24 = arith.constant 0 : index
    %get3A_25 = vector.load %arg2[%get3A_23, %get3A_24] : memref<10000x64xf32, #tpu.memory_space<vmem>>, vector<10000x64xf32>
    %add3A_26 = arith.addf %div3A_22, %get3A_25 : vector<10000x64xf32>
    %reduce_sum3A = arith.constant dense<0.000000e+00> : vector<64xf32>
    %reduce_sum3A_27 = vector.multi_reduction <add>, %add3A_26, %reduce_sum3A [0] : vector<10000x64xf32> to vector<64xf32>
    %broadcast_in_dim3A = vector.shape_cast %reduce_sum3A_27 : vector<64xf32> to vector<1x64xf32>
    %div3A_28 = arith.constant 1.000000e+04 : f32
    %div3A_29 = vector.broadcast %div3A_28 : f32 to vector<1x64xf32>
    %div3A_30 = arith.divf %broadcast_in_dim3A, %div3A_29 : vector<1x64xf32>
    %sub3A = vector.broadcast %div3A_30 : vector<1x64xf32> to vector<10000x64xf32>
    %sub3A_31 = arith.subf %add3A_26, %sub3A : vector<10000x64xf32>
    %sub3A_32 = vector.broadcast %div3A_30 : vector<1x64xf32> to vector<10000x64xf32>
    %sub3A_33 = arith.subf %add3A_26, %sub3A_32 : vector<10000x64xf32>
    %mul3A = arith.mulf %sub3A_31, %sub3A_33 : vector<10000x64xf32>
    %reduce_sum3A_34 = arith.constant dense<0.000000e+00> : vector<64xf32>
    %reduce_sum3A_35 = vector.multi_reduction <add>, %mul3A, %reduce_sum3A_34 [0] : vector<10000x64xf32> to vector<64xf32>
    %broadcast_in_dim3A_36 = vector.shape_cast %reduce_sum3A_35 : vector<64xf32> to vector<1x64xf32>
    %div3A_37 = arith.constant 1.000000e+04 : f32
    %div3A_38 = vector.broadcast %div3A_37 : f32 to vector<1x64xf32>
    %div3A_39 = arith.divf %broadcast_in_dim3A_36, %div3A_38 : vector<1x64xf32>
    %get3A_40 = arith.constant 0 : index
    %get3A_41 = arith.constant 0 : index
    %get3A_42 = vector.load %arg4[%get3A_40, %get3A_41] : memref<1x64xf32, #tpu.memory_space<vmem>>, vector<1x64xf32>
    %sub3A_43 = vector.broadcast %div3A_30 : vector<1x64xf32> to vector<10000x64xf32>
    %sub3A_44 = arith.subf %add3A_26, %sub3A_43 : vector<10000x64xf32>
    %mul3A_45 = vector.broadcast %get3A_42 : vector<1x64xf32> to vector<10000x64xf32>
    %mul3A_46 = arith.mulf %mul3A_45, %sub3A_44 : vector<10000x64xf32>
    %add3A_47 = arith.constant 9.99999974E-6 : f32
    %add3A_48 = vector.broadcast %add3A_47 : f32 to vector<1x64xf32>
    %add3A_49 = arith.addf %div3A_39, %add3A_48 : vector<1x64xf32>
    %sqrt3A = math.sqrt %add3A_49 : vector<1x64xf32>
    %div3A_50 = vector.broadcast %sqrt3A : vector<1x64xf32> to vector<10000x64xf32>
    %div3A_51 = arith.divf %mul3A_46, %div3A_50 : vector<10000x64xf32>
    %get3A_52 = arith.constant 0 : index
    %get3A_53 = arith.constant 0 : index
    %get3A_54 = vector.load %arg5[%get3A_52, %get3A_53] : memref<1x64xf32, #tpu.memory_space<vmem>>, vector<1x64xf32>
    %add3A_55 = vector.broadcast %get3A_54 : vector<1x64xf32> to vector<10000x64xf32>
    %add3A_56 = arith.addf %div3A_51, %add3A_55 : vector<10000x64xf32>
    %max3A_57 = arith.constant 0.000000e+00 : f32
    %max3A_58 = vector.broadcast %max3A_57 : f32 to vector<10000x64xf32>
    %max3A_59 = arith.maximumf %add3A_56, %max3A_58 : vector<10000x64xf32>
    %get3A_60 = arith.constant 0 : index
    %get3A_61 = arith.constant 0 : index
    %get3A_62 = vector.load %arg3[%get3A_60, %get3A_61] : memref<10000x64xf32, #tpu.memory_space<vmem>>, vector<10000x64xf32>
    %mul3A_63 = arith.constant 3.000000e-01 : f32
    %mul3A_64 = vector.broadcast %mul3A_63 : f32 to vector<10000x64xf32>
    %mul3A_65 = arith.mulf %mul3A_64, %max3A_59 : vector<10000x64xf32>
    %add3A_66 = arith.addf %get3A_62, %mul3A_65 : vector<10000x64xf32>
    %get3A_67 = arith.constant 0 : index
    %get3A_68 = arith.constant 0 : index
    %get3A_69 = vector.load %arg6[%get3A_67, %get3A_68] : memref<64x64xf32, #tpu.memory_space<vmem>>, vector<64x64xf32>
    %dot_general3A = arith.constant dense<0.000000e+00> : vector<10000x64xf32>
    %dot_general3A_70 = tpu.matmul %add3A_66, %get3A_69, %dot_general3A {dimension_numbers = #tpu.dot_dimension_numbers<[1], [0], [0], [1], [0, 0, 1, 1], [], []>, transpose_lhs_hint = false} : vector<10000x64xf32>, vector<64x64xf32>, vector<10000x64xf32> -> vector<10000x64xf32>
    %swap3A = arith.constant 0 : index
    %swap3A_71 = arith.constant 0 : index
    %swap3A_72 = vector.load %arg9[%swap3A, %swap3A_71] : memref<10000x64xf32, #tpu.memory_space<vmem>>, vector<10000x64xf32>
    tpu.vector_store %arg9[%swap3A, %swap3A_71], %dot_general3A_70 {strides = array<i32>} : memref<10000x64xf32, #tpu.memory_space<vmem>>, vector<10000x64xf32>,
    %get3A_73 = arith.constant 0 : index
    %get3A_74 = arith.constant 0 : index
    %get3A_75 = vector.load %arg7[%get3A_73, %get3A_74] : memref<64x64xf32, #tpu.memory_space<vmem>>, vector<64x64xf32>
    %dot_general3A_76 = arith.constant dense<0.000000e+00> : vector<10000x64xf32>
    %dot_general3A_77 = tpu.matmul %add3A_66, %get3A_75, %dot_general3A_76 {dimension_numbers = #tpu.dot_dimension_numbers<[1], [0], [0], [1], [0, 0, 1, 1], [], []>, transpose_lhs_hint = false} : vector<10000x64xf32>, vector<64x64xf32>, vector<10000x64xf32> -> vector<10000x64xf32>
    %get3A_78 = arith.constant 0 : index
    %get3A_79 = arith.constant 0 : index
    %get3A_80 = vector.load %arg8[%get3A_78, %get3A_79] : memref<1x64xf32, #tpu.memory_space<vmem>>, vector<1x64xf32>
    %add3A_81 = vector.broadcast %get3A_80 : vector<1x64xf32> to vector<10000x64xf32>
    %add3A_82 = arith.addf %dot_general3A_77, %add3A_81 : vector<10000x64xf32>
    %swap3A_83 = arith.constant 0 : index
    %swap3A_84 = arith.constant 0 : index
    %swap3A_85 = vector.load %arg10[%swap3A_83, %swap3A_84] : memref<10000x64xf32, #tpu.memory_space<vmem>>, vector<10000x64xf32>
    tpu.vector_store %arg10[%swap3A_83, %swap3A_84], %add3A_82 {strides = array<i32>} : memref<10000x64xf32, #tpu.memory_space<vmem>>, vector<10000x64xf32>,
    return
  }
}

module attributes {stable_mosaic.version = 14 : i64} {
  func.func @_tc3_body(%arg0: memref<2x10240x64xf32, #tpu.memory_space<vmem>>, %arg1: memref<2x10240x16xf32, #tpu.memory_space<vmem>>, %arg2: memref<10000x64xf32, #tpu.memory_space<vmem>>, %arg3: memref<1x64xf32, #tpu.memory_space<vmem>>, %arg4: memref<1x64xf32, #tpu.memory_space<vmem>>, %arg5: memref<10000x64xf32, #tpu.memory_space<vmem>>) attributes {dimension_semantics = [], scalar_prefetch = 0 : i64, scratch_operands = 0 : i64, tpu.core_type = #tpu.core_type<tc>} {
    %get3A = arith.constant 0 : index
    %get3A_0 = arith.constant 0 : index
    %get3A_1 = arith.constant 0 : index
    %get3A_2 = vector.load %arg0[%get3A, %get3A_0, %get3A_1] : memref<2x10240x64xf32, #tpu.memory_space<vmem>>, vector<1x10000x64xf32>
    %get3A_3 = vector.shape_cast %get3A_2 : vector<1x10000x64xf32> to vector<10000x64xf32>
    %get3A_4 = arith.constant 1 : index
    %get3A_5 = arith.constant 0 : index
    %get3A_6 = arith.constant 0 : index
    %get3A_7 = vector.load %arg0[%get3A_4, %get3A_5, %get3A_6] : memref<2x10240x64xf32, #tpu.memory_space<vmem>>, vector<1x10000x64xf32>
    %get3A_8 = vector.shape_cast %get3A_7 : vector<1x10000x64xf32> to vector<10000x64xf32>
    %add3A = arith.addf %get3A_3, %get3A_8 : vector<10000x64xf32>
    %get3A_9 = arith.constant 0 : index
    %get3A_10 = arith.constant 0 : index
    %get3A_11 = arith.constant 0 : index
    %get3A_12 = vector.load %arg1[%get3A_9, %get3A_10, %get3A_11] : memref<2x10240x16xf32, #tpu.memory_space<vmem>>, vector<1x10000x1xf32>
    %get3A_13 = vector.shape_cast %get3A_12 : vector<1x10000x1xf32> to vector<10000x1xf32>
    %get3A_14 = arith.constant 1 : index
    %get3A_15 = arith.constant 0 : index
    %get3A_16 = arith.constant 0 : index
    %get3A_17 = vector.load %arg1[%get3A_14, %get3A_15, %get3A_16] : memref<2x10240x16xf32, #tpu.memory_space<vmem>>, vector<1x10000x1xf32>
    %get3A_18 = vector.shape_cast %get3A_17 : vector<1x10000x1xf32> to vector<10000x1xf32>
    %add3A_19 = arith.addf %get3A_13, %get3A_18 : vector<10000x1xf32>
    %max3A = arith.constant 1.000000e+00 : f32
    %max3A_20 = vector.broadcast %max3A : f32 to vector<10000x1xf32>
    %max3A_21 = arith.maximumf %add3A_19, %max3A_20 : vector<10000x1xf32>
    %div3A = vector.broadcast %max3A_21 : vector<10000x1xf32> to vector<10000x64xf32>
    %div3A_22 = arith.divf %add3A, %div3A : vector<10000x64xf32>
    %get3A_23 = arith.constant 0 : index
    %get3A_24 = arith.constant 0 : index
    %get3A_25 = vector.load %arg2[%get3A_23, %get3A_24] : memref<10000x64xf32, #tpu.memory_space<vmem>>, vector<10000x64xf32>
    %add3A_26 = arith.addf %div3A_22, %get3A_25 : vector<10000x64xf32>
    %reduce_sum3A = arith.constant dense<0.000000e+00> : vector<64xf32>
    %reduce_sum3A_27 = vector.multi_reduction <add>, %add3A_26, %reduce_sum3A [0] : vector<10000x64xf32> to vector<64xf32>
    %broadcast_in_dim3A = vector.shape_cast %reduce_sum3A_27 : vector<64xf32> to vector<1x64xf32>
    %div3A_28 = arith.constant 1.000000e+04 : f32
    %div3A_29 = vector.broadcast %div3A_28 : f32 to vector<1x64xf32>
    %div3A_30 = arith.divf %broadcast_in_dim3A, %div3A_29 : vector<1x64xf32>
    %sub3A = vector.broadcast %div3A_30 : vector<1x64xf32> to vector<10000x64xf32>
    %sub3A_31 = arith.subf %add3A_26, %sub3A : vector<10000x64xf32>
    %sub3A_32 = vector.broadcast %div3A_30 : vector<1x64xf32> to vector<10000x64xf32>
    %sub3A_33 = arith.subf %add3A_26, %sub3A_32 : vector<10000x64xf32>
    %mul3A = arith.mulf %sub3A_31, %sub3A_33 : vector<10000x64xf32>
    %reduce_sum3A_34 = arith.constant dense<0.000000e+00> : vector<64xf32>
    %reduce_sum3A_35 = vector.multi_reduction <add>, %mul3A, %reduce_sum3A_34 [0] : vector<10000x64xf32> to vector<64xf32>
    %broadcast_in_dim3A_36 = vector.shape_cast %reduce_sum3A_35 : vector<64xf32> to vector<1x64xf32>
    %div3A_37 = arith.constant 1.000000e+04 : f32
    %div3A_38 = vector.broadcast %div3A_37 : f32 to vector<1x64xf32>
    %div3A_39 = arith.divf %broadcast_in_dim3A_36, %div3A_38 : vector<1x64xf32>
    %get3A_40 = arith.constant 0 : index
    %get3A_41 = arith.constant 0 : index
    %get3A_42 = vector.load %arg3[%get3A_40, %get3A_41] : memref<1x64xf32, #tpu.memory_space<vmem>>, vector<1x64xf32>
    %sub3A_43 = vector.broadcast %div3A_30 : vector<1x64xf32> to vector<10000x64xf32>
    %sub3A_44 = arith.subf %add3A_26, %sub3A_43 : vector<10000x64xf32>
    %mul3A_45 = vector.broadcast %get3A_42 : vector<1x64xf32> to vector<10000x64xf32>
    %mul3A_46 = arith.mulf %mul3A_45, %sub3A_44 : vector<10000x64xf32>
    %add3A_47 = arith.constant 9.99999974E-6 : f32
    %add3A_48 = vector.broadcast %add3A_47 : f32 to vector<1x64xf32>
    %add3A_49 = arith.addf %div3A_39, %add3A_48 : vector<1x64xf32>
    %sqrt3A = math.sqrt %add3A_49 : vector<1x64xf32>
    %div3A_50 = vector.broadcast %sqrt3A : vector<1x64xf32> to vector<10000x64xf32>
    %div3A_51 = arith.divf %mul3A_46, %div3A_50 : vector<10000x64xf32>
    %get3A_52 = arith.constant 0 : index
    %get3A_53 = arith.constant 0 : index
    %get3A_54 = vector.load %arg4[%get3A_52, %get3A_53] : memref<1x64xf32, #tpu.memory_space<vmem>>, vector<1x64xf32>
    %add3A_55 = vector.broadcast %get3A_54 : vector<1x64xf32> to vector<10000x64xf32>
    %add3A_56 = arith.addf %div3A_51, %add3A_55 : vector<10000x64xf32>
    %max3A_57 = arith.constant 0.000000e+00 : f32
    %max3A_58 = vector.broadcast %max3A_57 : f32 to vector<10000x64xf32>
    %max3A_59 = arith.maximumf %add3A_56, %max3A_58 : vector<10000x64xf32>
    %swap3A = arith.constant 0 : index
    %swap3A_60 = arith.constant 0 : index
    %swap3A_61 = vector.load %arg5[%swap3A, %swap3A_60] : memref<10000x64xf32, #tpu.memory_space<vmem>>, vector<10000x64xf32>
    tpu.vector_store %arg5[%swap3A, %swap3A_60], %max3A_59 {strides = array<i32>} : memref<10000x64xf32, #tpu.memory_space<vmem>>, vector<10000x64xf32>,
    return
  }
}

</mosaic_0001>

<sc_bundles>
// kernel: kernel.12.cloned.1.call-start
scs
__scs_entry_jumppad:
0x0: {  	(pc) =	sbr.rel $0x88, $3  }
0x1: {  	(tag) =	ssettag $0x0;
	lr =	simm.s32 $0x1  }
0x2: {  	[smem:$0x3F90] =	sst lr;
	_ =	strace $0xD0000000  }
0x3: {  	_ = 	snop  }
0x4: {  	_ = 	snop  }
0x5: {  	_ = 	snop  }
0x6: {  	_ = 	snop  }
0x7: {  	_ = 	snop  }
__scs_overlays_trampoline_lowered:
0x8: {  	[smem:$0x3F9F] =	sst s0  }
0x9: {  	[smem:$0x3FA0] =	sst s1  }
0xa: {  	[smem:$0x3FA1] =	sst s2  }
0xb: {  	[smem:$0x3FA2] =	sst s3  }
0xc: {  	[smem:$0x3FA3] =	sst s4  }
0xd: {  	[smem:$0x3FA4] =	sst s5  }
0xe: {  	[smem:$0x3FA5] =	sst s6  }
0xf: {  	[smem:$0x3FA6] =	sst s7  }
0x10: {  	[smem:$0x3FA7] =	sst s8  }
0x11: {  	[smem:$0x3FA8] =	sst s9;
	s0 =	simm.s32 @!p0 $0x0  }
0x12: {  	s1 =	sld [smem:$0x3F8E];
	s0 =	simm.s32 @p0 $0x1  }
0x13: {  	[smem:$0x3FA9] =	sst s0;
	s0 =	simm.s32 @!p1 $0x0  }
0x14: {  	s2 =	sld [smem:$0x3F8D];
	s0 =	simm.s32 @p1 $0x1  }
0x15: {  	[smem:$0x3FAA] =	sst s0;
	s0 =	simm.s32 @!p2 $0x0  }
0x16: {  	s3 =	sld [smem:$0x3FDB];
	s0 =	simm.s32 @p2 $0x1  }
0x17: {  	s4 =	simm.s32 $0x1BF5;
	[smem:$0x3FAC] =	sst s0  }
0x18: {  	s0 =	sld [smem:$0x3F8F];
	_ =	swait.ge [sflag:s4], $0x0  }
0x19: {  	s7 =	sld [smem:$0x3F90]  }
0x1a: {  	s8 =	sadd.s32 $0xFFFFE003, lr  }
0x1b: {  	s9 =	sadd.s32 $0xFFFFFEF7, lr;
	s5 =	simm.s32 $0xFFFFFFFF;
	p2 =	slt.u32 s8, $0xFFFFF086  }
0x1c: {  	p1 =	slt.u32 s9, $0xF7A;
	s5 =	simm.s32 @!p2 $0x0  }
0x1d: {  	s5 =	simm.s32 @p1 $0x1;
	p0 =	seq.s32 s7, s2  }
0x1e: {  	s7 =	smul.u32 @!p0 $0xF7A, s2;
	p2 =	seq.s32 @!p0 s5, $0x0  }
0x1f: {  	s9 =	smul.u32 $0xF7A, s1;
	s8 =	simm.s32 @!p0 $0x1BF5;
	p2 =	por !p2, p0  }
0x20: {  	[sflag:s8] =	ssyncset.s32 @!p0 $0xFFFFF086;
	s6 =	sadd.s32 @!p0 s3, s7;
	s7 =	simm.s32 @!p0 $0x108  }
0x21: {  	s3 =	sadd.s32 s3, s9;
	s6 =	sadd.s32 @!p0 $0x88, s6;
	s7 =	simm.s32 @p2 $0x1082  }
0x22: {  	[simem:s7], [sflag:s8] =	dma.local @!p0 [hbm:s6], $0xF7A  }
0x23: {  	s9 =	sor.u32 $0xD0000000, s2;
	s6 =	simm.s32 $0x108;
	_ =	swait.ge @!p0 [sflag:s8], $0x0  }
0x24: {  	s3 =	sadd.s32 $0x88, s3;
	s6 =	simm.s32 @!p1 $0x1082;
	[sflag:s4] =	ssyncset.s32 $0xFFFFF086  }
0x25: {  	[simem:s6], [sflag:s4] =	dma.local [hbm:s3], $0xF7A  }
0x26: {  	[smem:$0x3F90] =	sst s1;
	(tag) =	ssettag s2;
	_ =	strace s9  }
0x27: {  	s1 =	sld [smem:$0x3FA0]  }
0x28: {  	s2 =	sld [smem:$0x3FA1]  }
0x29: {  	s4 =	sld [smem:$0x3FA3]  }
0x2a: {  	p0 =	seq.s32 s5, $0x0;
	s5 =	sld [smem:$0x3FA4]  }
0x2b: {  	s6 =	sld [smem:$0x3FA5]  }
0x2c: {  	s7 =	sld [smem:$0x3FA6]  }
0x2d: {  	s3 =	simm.s32 $0x108;
	s8 =	sld [smem:$0x3FA7]  }
0x2e: {  	s3 =	simm.s32 @!p0 $0x1082;
	s9 =	sld [smem:$0x3FA8]  }
0x2f: {  	lr =	sadd.s32 s0, s3;
	s0 =	sld [smem:$0x3F9F]  }
0x30: {  	s3 =	sld [smem:$0x3FA2]  }
0x31: {  	[smem:$0x3FAB] =	sst s10  }
0x32: {  	s10 =	sld [smem:$0x3FA9];
	_ =	sdelay $0x3  }
0x33: {  	p0 =	seq.s32 s10, $0x1;
	s10 =	sld [smem:$0x3FAB];
	_ =	sdelay $0x3  }
0x34: {  	[smem:$0x3FAB] =	sst s10  }
0x35: {  	s10 =	sld [smem:$0x3FAA];
	_ =	sdelay $0x3  }
0x36: {  	p1 =	seq.s32 s10, $0x1;
	s10 =	sld [smem:$0x3FAB];
	_ =	sdelay $0x3  }
0x37: {  	[smem:$0x3FAB] =	sst s10  }
0x38: {  	s10 =	sld [smem:$0x3FAC]  }
0x39: {  	_ = 	snop;
	(pc) =	sbr.ind lr, $3  }
0x3a: {  	_ = 	snop  }
0x3b: {  	_ = 	snop  }
0x3c: {  	p2 =	seq.s32 s10, $0x1;
	s10 =	sld [smem:$0x3FAB]  }
0x3d: {  	_ =	shalt  }
0x3e: {  	_ =	shalt  }
0x3f: {  	_ =	shalt  }
0x40: {  	_ =	shalt  }
0x41: {  	_ =	shalt  }
0x42: {  	_ =	shalt  }
0x43: {  	_ =	shalt  }
0x44: {  	_ =	shalt  }
0x45: {  	_ =	shalt  }
0x46: {  	_ =	shalt  }
0x47: {  	_ =	shalt  }
0x48: {  	_ =	shalt  }
0x49: {  	_ =	shalt  }
0x4a: {  	_ =	shalt  }
0x4b: {  	_ =	shalt  }
0x4c: {  	_ =	shalt  }
0x4d: {  	_ =	shalt  }
0x4e: {  	_ =	shalt  }
0x4f: {  	_ =	shalt  }
0x50: {  	_ =	shalt  }
0x51: {  	_ =	shalt  }
0x52: {  	_ =	shalt  }
0x53: {  	_ =	shalt  }
0x54: {  	_ =	shalt  }
0x55: {  	_ =	shalt  }
0x56: {  	_ =	shalt  }
0x57: {  	_ =	shalt  }
0x58: {  	_ =	shalt  }
0x59: {  	_ =	shalt  }
0x5a: {  	_ =	shalt  }
0x5b: {  	_ =	shalt  }
0x5c: {  	_ =	shalt  }
0x5d: {  	_ =	shalt  }
0x5e: {  	_ =	shalt  }
0x5f: {  	_ =	shalt  }
0x60: {  	_ =	shalt  }
0x61: {  	_ =	shalt  }
0x62: {  	_ =	shalt  }
0x63: {  	_ =	shalt  }
0x64: {  	_ =	shalt  }
0x65: {  	_ =	shalt  }
0x66: {  	_ =	shalt  }
0x67: {  	_ =	shalt  }
0x68: {  	_ =	shalt  }
0x69: {  	_ =	shalt  }
0x6a: {  	_ =	shalt  }
0x6b: {  	_ =	shalt  }
0x6c: {  	_ =	shalt  }
0x6d: {  	_ =	shalt  }
0x6e: {  	_ =	shalt  }
0x6f: {  	_ =	shalt  }
0x70: {  	_ =	shalt  }
0x71: {  	_ =	shalt  }
0x72: {  	_ =	shalt  }
0x73: {  	_ =	shalt  }
0x74: {  	_ =	shalt  }
0x75: {  	_ =	shalt  }
0x76: {  	_ =	shalt  }
0x77: {  	_ =	shalt  }
0x78: {  	_ =	shalt  }
0x79: {  	_ =	shalt  }
0x7a: {  	_ =	shalt  }
0x7b: {  	_ =	shalt  }
0x7c: {  	_ =	shalt  }
0x7d: {  	_ =	shalt  }
0x7e: {  	_ =	shalt  }
0x7f: {  	_ =	shalt  }
0x80: {  	_ =	shalt  }
0x81: {  	_ =	shalt  }
0x82: {  	_ =	shalt  }
0x83: {  	_ =	shalt  }
0x84: {  	_ =	shalt  }
0x85: {  	_ =	shalt  }
0x86: {  	_ =	shalt  }
0x87: {  	_ =	shalt  }
.Lfunc_end0:
.L_simem_size_0:
called_computation.1_lowered:
.L_overlay_start_0:
0x88: {  	s2 =	sld [smem:$0x3FD9]  }
0x89: {  	s3 =	sld [smem:$0x3FFE];
	_ =	sdelay $0x1  }
0x8a: {  	s1 =	srdreg.scid  }
0x8b: {  	s0 =	sand.u32 $0x1, s1  }
0x8c: {  	s17 =	sshll.u32 s0, $0xA;
	s2 =	sadd.s32 s3, s2  }
0x8d: {  	s2 =	sadd.s32 s2, s17  }
0x8e: {  	[smem:$0x3FB7] =	sst s2  }
0x8f: {  	_ = 	snop  }
0x90: {  	s2 =	sld [smem:$0x3FD0];
	(tm) =	ssettm $0x1  }
0x91: {  	s18 =	sld [smem:$0x3FFB];
	_ =	sdelay $0x3  }
0x92: {  	_ =	strace s18  }
0x93: {  	s3 =	sld [smem:$0x3FFC];
	_ =	sdelay $0x3  }
0x94: {  	_ =	strace s3  }
0x95: {  	s3 =	sld [smem:$0x3FFD];
	_ =	sdelay $0x3  }
0x96: {  	_ =	strace s3  }
0x97: {  	_ =	strace $0x8FFFFFFF  }
0x98: {  	s19 =	sld [smem:$0x3FDB];
	_ =	sdelay $0x1  }
0x99: {  	s4 =	simm.s32 $_scs_section_size  }
0x9a: {  	s5 =	simm.s32 $_size__tile_overlayer_lowered;
	s6 =	simm.s32 $_tile_overlayer_lowered  }
0x9b: {  	s22 =	simm.s32 $0x1BFF;
	s21 =	sshll.u32 s6, $0x1;
	s3 =	sadd.s32 s4, s19  }
0x9c: {  	s7 =	simm.s32 $0x0;
	s20 =	sshll.u32 s5, $0x1;
	s5 =	sadd.s32 s21, s3  }
0x9d: {  	[timem:s7], [sflag:s22] =	dma.local [hbm:s5], s20  }
0x9e: {  	_ =	swait.ge [sflag:s22], s20  }
0x9f: {  	s4 =	ssub.s32 $0x0, s20;
	[sflag:s22] =	ssyncset.done $0x0  }
0xa0: {  	[sflag:s22] =	ssyncadd.s32 s4;
	_ =	sdelay $0x1  }
0xa1: {  	s23 =	simm.s32 $0x1B8B  }
0xa2: {  	_ =	swait.ge [sflag:s23], $0x1  }
0xa3: {  	[sflag:s23] =	ssyncset.done $0x0  }
0xa4: {  	s25 =	simm.s32 $0x1B8E;
	s24 =	sld [smem:$0x3FFE];
	[sflag:s23] =	ssyncadd.s32 $0xFFFFFFFF  }
0xa5: {  	s26 =	simm.s32 $execute0_lowered;
	[smem:$0x3FD2] =	sst s25  }
0xa6: {  	s5 =	sshll.u32 s26, $0x1;
	_ =	strace $0x80000049;
	[dreg:$0x1] =	wrdreg $0xFFFFFFFF  }
0xa7: {  	s28 =	simm.s32 $_size_execute0_lowered;
	s3 =	sadd.s32 s3, s5;
	[dreg:$0x0] =	wrdreg $0x0  }
0xa8: {  	s5 =	sshll.u32 s28, $0x1;
	[dreg:$0x2] =	wrdreg s3  }
0xa9: {  	[dreg:$0x3] =	wrdreg s5  }
0xaa: {  	[dreg:$0x4] =	wrdreg $0xC0  }
0xab: {  	_ =	task [dreg:s7], $0x5FFFF  }
0xac: {  	[dreg:$0x1] =	wrdreg $0xFFFFFFFF  }
0xad: {  	[dreg:$0x0] =	wrdreg $0x60  }
0xae: {  	[dreg:$0x2] =	wrdreg s2  }
0xaf: {  	[dreg:$0x3] =	wrdreg s24  }
0xb0: {  	[dreg:$0x4] =	wrdreg $0x21000  }
0xb1: {  	[dreg:$0x5] =	wrdreg $0x9  }
0xb2: {  	_ =	task.clear_ibuf [dreg:s7], $0x6FFFF;
	_ =	strace $0x90000049  }
0xb3: {  	s29 =	simm.s32 $0x9;
	_ =	strace $0x8000004B  }
0xb4: {  	_ =	swait.ge [sflag:s29], $0x1  }
0xb5: {  	[sflag:s29] =	ssyncadd.s32 $0xFFFFFFFF  }
0xb6: {  	_ =	strace $0x9000004B  }
0xb7: {  	_ =	sfence  }
0xb8: {  	s30 =	sld [smem:$0x0];
	_ =	sdelay $0x2  }
0xb9: {  	s31 =	sshll.u32 s1, $0xD;
	s1 =	sshrl.u32 s1, $0x2  }
0xba: {  	s3 =	sand.u32 $0x4000, s31;
	s1 =	sadd.s32 s1, s30  }
0xbb: {  	s0 =	sor.u32 s3, s0;
	s1 =	sshll.u32 s1, $0x11  }
0xbc: {  	s0 =	sor.u32 s1, s0  }
0xbd: {  	s0 =	sadd.s32 $0x8F2B, s0  }
0xbe: {  	[sflag:s0] =	ssyncadd.remote.s32 $0x1  }
0xbf: {  	_ =	sfence.sel $0xFFFF  }
0xc0: {  	[dreg:$0x0] =	wrdreg $0xFFFFFFFF;
	(pc) =	sbr.abs _section_cstart, $3  }
0xc1: {  	[dreg:$0x1] =	wrdreg $0xFFFFFFFF  }
0xc2: {  	_ =	task.clear_ibuf [dreg:s7], $0x2FFFF;
	_ =	strace $0x9FFFFFFF  }
0xc3: {  	(tm) =	ssettm $0x7FFFFFFF  }
tec
execute0_lowered:
.L_overlay_start_1:
0x0: {  	(tag) =	ssettag $0x1  }
0x1: {  	s1 =	rddreg [dreg:$0x0]  }
0x2: {  	s6 =	rddreg [dreg:$0x1]  }
0x3: {  	s3 =	rddreg [dreg:$0x2];
	s4 =	srdreg.scid  }
0x4: {  	s0 =	rddreg [dreg:$0x3];
	s2 =	stileid.u32  }
0x5: {  	s19 =	simm.s32 $0x100;
	s20 =	simm.s32 $0x1;
	s21 =	simm.s32 $0x0  }
0x6: {  	s5 =	sand.u32 $0x1, s4;
	s7 =	sshll.u32 s2, $0x8;
	s9 =	smul.u32 $0xA000, s2  }
0x7: {  	s4 =	simm.s32 $0x0;
	s10 =	smul.u32 $0x28000, s2;
	s30 =	sshll.u32 s2, $0x6  }
0x8: {  	p0 =	slt.u32 s2, $0x2;
	s8 =	sshll.u32 s5, $0x7;
	s25 =	smul.u32 $0xA0000, s5  }
0x9: {  	[smem:$0x7FF] =	sst s4;
	s28 =	ssub.s32 $0x2, s5;
	s5 =	sadd.s32 $0x16600, s6  }
0xa: {  	s7 =	sor.u32 s8, s7;
	_ =	strace $0x8000004A;
	s29 =	sshrl.u32 s28, $0x1  }
0xb: {  	s31 =	sshrl.u32 s10, $0x2;
	s14 =	sadd.s32 s9, s3;
	s7 =	sshrl.u32 s7, $0x3  }
0xc: {  	s26 =	sadd.s32 s9, s25;
	s13 =	ssub.s32 s28, s29;
	s11 =	sadd.s32 s7, s6  }
0xd: {  	s7 =	sshrl.u32 s26, $0x3;
	s9 =	smax.u32 s13, $0x1;
	s13 =	simm.s32 $0x2  }
0xe: {  	s12 =	sadd.s32 s7, s6;
	s6 =	sor.u32 $0x1C02, s30;
	s7 =	sadd.s32 s31, s3  }
0xf: {  	s10 =	sadd.s32 $0x2800, s11;
	s11 =	sadd.s32 $0xC600, s11;
	s15 =	sadd.s32 $0x2000, s7  }
0x10: {  	s16 =	sadd.s32 $0x4000, s7;
	s17 =	sadd.s32 $0x6000, s7;
	s18 =	sadd.s32 $0x8000, s7  }
0x11: {  	s7 =	simm.s32 $0x4F;
	s8 =	sadd.s32 $0x16A00, s12;
	s12 =	sshrl.u32 s14, $0x3  }
0x12: {  	s7 =	simm.s32 @!p0 $0x4E;
	s14 =	sshrl.u32 s15, $0x3;
	s15 =	sshrl.u32 s16, $0x3  }
0x13: {  	s16 =	sshrl.u32 s17, $0x3;
	s17 =	sshrl.u32 s18, $0x3;
	s18 =	simm.s32 $0x80  }
.LBB2_1:
0x14: {  	[spmem:s12], [sflag:s6] =	dma.local [hbm:s5], $0x400  }
0x15: {  	_ =	swait.ge [sflag:s13], $0x400  }
0x16: {  	[sflag:s13] =	ssyncset.done $0x0  }
0x17: {  	[sflag:s13] =	ssyncadd.s32 $0xFFFFFC00  }
0x18: {  	[spmem:s14], [sflag:s6] =	dma.local [hbm:s5], $0x400  }
0x19: {  	_ =	swait.ge [sflag:s13], $0x400  }
0x1a: {  	[sflag:s13] =	ssyncset.done $0x0  }
0x1b: {  	[sflag:s13] =	ssyncadd.s32 $0xFFFFFC00  }
0x1c: {  	[spmem:s15], [sflag:s6] =	dma.local [hbm:s5], $0x400  }
0x1d: {  	_ =	swait.ge [sflag:s13], $0x400  }
0x1e: {  	[sflag:s13] =	ssyncset.done $0x0  }
0x1f: {  	[sflag:s13] =	ssyncadd.s32 $0xFFFFFC00  }
0x20: {  	[spmem:s16], [sflag:s6] =	dma.local [hbm:s5], $0x400  }
0x21: {  	_ =	swait.ge [sflag:s13], $0x400  }
0x22: {  	[sflag:s13] =	ssyncset.done $0x0  }
0x23: {  	[sflag:s13] =	ssyncadd.s32 $0xFFFFFC00  }
0x24: {  	[spmem:s17], [sflag:s6] =	dma.local [hbm:s5], $0x400  }
0x25: {  	_ =	swait.ge [sflag:s13], $0x400  }
0x26: {  	[sflag:s13] =	ssyncset.done $0x0  }
0x27: {  	[sflag:s13] =	ssyncadd.s32 $0xFFFFFC00  }
0x28: {  	[bflag:$0x0] =	sbarrier.arrive $0xFFFF  }
0x29: {  	[tilespmem:s4], [sflag:$0x2] =	stream.linear.gather [hbm4b:s11+s4], $0x80, $0x38;
	[tilespmem:$0xC100] =	vst v63  }
0x2a: {  	_ =	swait.ge [sflag:s13], $0x80  }
0x2b: {  	[sflag:s13] =	ssyncset.done $0x0  }
0x2c: {  	[sflag:s13] =	ssyncadd.s32 $0xFFFFFF80  }
0x2d: {  	[tilespmem:s18], [sflag:$0x2] =	stream.linear.gather [hbm4b:s10+s4], $0x80, $0x38;
	[tilespmem:$0xC100] =	vst v63  }
0x2e: {  	_ =	swait.ge [sflag:s13], $0x80  }
0x2f: {  	[sflag:s13] =	ssyncset.done $0x0  }
0x30: {  	[sflag:s13] =	ssyncadd.s32 $0xFFFFFF80  }
0x31: {  	[tilespmem:s19], [sflag:$0x1] =	stream.indirect.gather [hbm4b:s1+s18], $0x40, s4, s18, $0xb8;
	[tilespmem:$0xC100] =	vst v63  }
0x32: {  	p0 =	sne.s32 s7, $0x1;
	_ =	swait.ge [sflag:s20], $0x2000  }
.Ltmp0:
0x33: {  	[sflag:s20] =	ssyncset.done $0x0;
	(pc) =	sbr.rel @!p0 .LBB2_3-.Ltmp0, $4  }
0x34: {  	[sflag:s20] =	ssyncadd.s32 $0xFFFFE000  }
0x35: {  	[spmem:s3] =	stream.indirect.scatter.add.f32 [tilespmem:s19], [sflag:$0x2], $0x40, s18, s18, $0xb8;
	[tilespmem:$0xC100] =	vst v63  }
0x36: {  	s22 =	sadd.s32 $0xFFFFFFFF, s7;
	_ =	swait.ge [sflag:s13], $0x2000  }
0x37: {  	s23 =	smov.u32 s10;
	s24 =	smov.u32 s11;
	[sflag:s13] =	ssyncset.done $0x0  }
.LBB2_2:
0x38: {  	[sflag:s13] =	ssyncadd.s32 $0xFFFFE000;
	s23 =	sadd.s32 $0x200, s23;
	s24 =	sadd.s32 $0x200, s24  }
0x39: {  	[tilespmem:s4], [sflag:$0x2] =	stream.linear.gather [hbm4b:s24+s4], $0x80, $0x38;
	[tilespmem:$0xC100] =	vst v63  }
0x3a: {  	p0 =	sne.s32 s22, $0x1;
	s22 =	sadd.s32 $0xFFFFFFFF, s22;
	_ =	swait.ge [sflag:s13], $0x80  }
0x3b: {  	[sflag:s13] =	ssyncset.done $0x0  }
0x3c: {  	[sflag:s13] =	ssyncadd.s32 $0xFFFFFF80  }
0x3d: {  	[tilespmem:s18], [sflag:$0x2] =	stream.linear.gather [hbm4b:s23+s4], $0x80, $0x38;
	[tilespmem:$0xC100] =	vst v63  }
0x3e: {  	_ =	swait.ge [sflag:s13], $0x80  }
0x3f: {  	[sflag:s13] =	ssyncset.done $0x0  }
0x40: {  	[sflag:s13] =	ssyncadd.s32 $0xFFFFFF80  }
0x41: {  	[tilespmem:s19], [sflag:$0x1] =	stream.indirect.gather [hbm4b:s1+s18], $0x40, s4, s18, $0xb8;
	[tilespmem:$0xC100] =	vst v63  }
0x42: {  	_ =	swait.ge [sflag:s20], $0x2000  }
.Ltmp1:
0x43: {  	[sflag:s20] =	ssyncset.done $0x0;
	(pc) =	sbr.rel @p0 .LBB2_2-.Ltmp1, $4  }
0x44: {  	[sflag:s20] =	ssyncadd.s32 $0xFFFFE000  }
0x45: {  	[spmem:s3] =	stream.indirect.scatter.add.f32 [tilespmem:s19], [sflag:$0x2], $0x40, s18, s18, $0xb8;
	[tilespmem:$0xC100] =	vst v63  }
0x46: {  	_ =	swait.ge [sflag:s13], $0x2000  }
0x47: {  	[sflag:s13] =	ssyncset.done $0x0  }
.LBB2_3:
0x48: {  	s21 =	sadd.s32 $0x1, s21  }
0x49: {  	[sflag:s13] =	ssyncadd.s32 $0xFFFFE000;
	p0 =	sne.s32 s21, s9  }
.Ltmp2:
0x4a: {  	[bflag:$0x0] =	sbarrier.arrive $0xFFFF;
	(pc) =	sbr.rel @p0 .LBB2_1-.Ltmp2, $4  }
0x4b: {  	[hbm:s8], [sflag:s6] =	dma.local [spmem:s12], $0x1400  }
0x4c: {  	_ =	swait.ge [sflag:s13], $0x1400  }
0x4d: {  	[sflag:s13] =	ssyncset.done $0x0  }
0x4e: {  	[sflag:s13] =	ssyncadd.s32 $0xFFFFEC00  }
0x4f: {  	_ =	sfence.sel $0x180000  }
0x50: {  	[bflag:$0x0] =	sbarrier.arrive $0xFFFF  }
0x51: {  	p0 =	sne.s32 s2, $0x0;
	_ =	strace $0x9000004A  }
0x52: {  	s0 =	sadd.s32 @!p0 $0x100000, s0;
	[bflag:$0x2] =	sbarrier.arrive $0xFFFF  }
0x53: {  	[sflag:s0] =	ssyncadd.tile.s32 @!p0 $0x1;
	_ =	shalt  }
.Lfunc_end2:
_tile_overlayer_lowered:
.L_overlay_start_2:
0x54: {  	(tag) =	ssettag $0x2  }
0x55: {  	s0 =	rddreg [dreg:$0x0];
	s2 =	stileid.u32  }
0x56: {  	s1 =	rddreg [dreg:$0x1];
	p0 =	sne.s32 s2, $0x0  }
0x57: {  	s3 =	rddreg [dreg:$0x2];
	[bflag:$0x3] =	sbarrier.arrive $0xFFFF;
	s2 =	simm.s32 @!p0 $0x1C02  }
0x58: {  	[timem:s3], [sflag:s2] =	dma.local @!p0 [hbm:s0], s1  }
0x59: {  	s0 =	simm.s32 @!p0 $0x2  }
0x5a: {  	_ =	swait.ge @!p0 [sflag:s0], s1  }
0x5b: {  	s1 =	ssub.s32 @!p0 $0x0, s1;
	[sflag:s0] =	ssyncset.done @!p0 $0x0  }
0x5c: {  	[sflag:s0] =	ssyncadd.s32 @!p0 s1  }
0x5d: {  	[bflag:$0x3] =	sbarrier.arrive $0xFFFF  }
0x5e: {  	_ =	shalt  }

// kernel: kernel.15.cloned.1.call-start
scs
__scs_entry_jumppad:
0x0: {  	(pc) =	sbr.rel $0x88, $3  }
0x1: {  	(tag) =	ssettag $0x0;
	lr =	simm.s32 $0x1  }
0x2: {  	[smem:$0x3F90] =	sst lr;
	_ =	strace $0xD0000000  }
0x3: {  	_ = 	snop  }
0x4: {  	_ = 	snop  }
0x5: {  	_ = 	snop  }
0x6: {  	_ = 	snop  }
0x7: {  	_ = 	snop  }
__scs_overlays_trampoline_lowered:
0x8: {  	[smem:$0x3F9F] =	sst s0  }
0x9: {  	[smem:$0x3FA0] =	sst s1  }
0xa: {  	[smem:$0x3FA1] =	sst s2  }
0xb: {  	[smem:$0x3FA2] =	sst s3  }
0xc: {  	[smem:$0x3FA3] =	sst s4  }
0xd: {  	[smem:$0x3FA4] =	sst s5  }
0xe: {  	[smem:$0x3FA5] =	sst s6  }
0xf: {  	[smem:$0x3FA6] =	sst s7  }
0x10: {  	[smem:$0x3FA7] =	sst s8  }
0x11: {  	[smem:$0x3FA8] =	sst s9;
	s0 =	simm.s32 @!p0 $0x0  }
0x12: {  	s1 =	sld [smem:$0x3F8E];
	s0 =	simm.s32 @p0 $0x1  }
0x13: {  	[smem:$0x3FA9] =	sst s0;
	s0 =	simm.s32 @!p1 $0x0  }
0x14: {  	s2 =	sld [smem:$0x3F8D];
	s0 =	simm.s32 @p1 $0x1  }
0x15: {  	[smem:$0x3FAA] =	sst s0;
	s0 =	simm.s32 @!p2 $0x0  }
0x16: {  	s3 =	sld [smem:$0x3FDB];
	s0 =	simm.s32 @p2 $0x1  }
0x17: {  	s4 =	simm.s32 $0x1BF5;
	[smem:$0x3FAC] =	sst s0  }
0x18: {  	s0 =	sld [smem:$0x3F8F];
	_ =	swait.ge [sflag:s4], $0x0  }
0x19: {  	s7 =	sld [smem:$0x3F90]  }
0x1a: {  	s8 =	sadd.s32 $0xFFFFE003, lr  }
0x1b: {  	s9 =	sadd.s32 $0xFFFFFEF7, lr;
	s5 =	simm.s32 $0xFFFFFFFF;
	p2 =	slt.u32 s8, $0xFFFFF086  }
0x1c: {  	p1 =	slt.u32 s9, $0xF7A;
	s5 =	simm.s32 @!p2 $0x0  }
0x1d: {  	s5 =	simm.s32 @p1 $0x1;
	p0 =	seq.s32 s7, s2  }
0x1e: {  	s7 =	smul.u32 @!p0 $0xF7A, s2;
	p2 =	seq.s32 @!p0 s5, $0x0  }
0x1f: {  	s9 =	smul.u32 $0xF7A, s1;
	s8 =	simm.s32 @!p0 $0x1BF5;
	p2 =	por !p2, p0  }
0x20: {  	[sflag:s8] =	ssyncset.s32 @!p0 $0xFFFFF086;
	s6 =	sadd.s32 @!p0 s3, s7;
	s7 =	simm.s32 @!p0 $0x108  }
0x21: {  	s3 =	sadd.s32 s3, s9;
	s6 =	sadd.s32 @!p0 $0x88, s6;
	s7 =	simm.s32 @p2 $0x1082  }
0x22: {  	[simem:s7], [sflag:s8] =	dma.local @!p0 [hbm:s6], $0xF7A  }
0x23: {  	s9 =	sor.u32 $0xD0000000, s2;
	s6 =	simm.s32 $0x108;
	_ =	swait.ge @!p0 [sflag:s8], $0x0  }
0x24: {  	s3 =	sadd.s32 $0x88, s3;
	s6 =	simm.s32 @!p1 $0x1082;
	[sflag:s4] =	ssyncset.s32 $0xFFFFF086  }
0x25: {  	[simem:s6], [sflag:s4] =	dma.local [hbm:s3], $0xF7A  }
0x26: {  	[smem:$0x3F90] =	sst s1;
	(tag) =	ssettag s2;
	_ =	strace s9  }
0x27: {  	s1 =	sld [smem:$0x3FA0]  }
0x28: {  	s2 =	sld [smem:$0x3FA1]  }
0x29: {  	s4 =	sld [smem:$0x3FA3]  }
0x2a: {  	p0 =	seq.s32 s5, $0x0;
	s5 =	sld [smem:$0x3FA4]  }
0x2b: {  	s6 =	sld [smem:$0x3FA5]  }
0x2c: {  	s7 =	sld [smem:$0x3FA6]  }
0x2d: {  	s3 =	simm.s32 $0x108;
	s8 =	sld [smem:$0x3FA7]  }
0x2e: {  	s3 =	simm.s32 @!p0 $0x1082;
	s9 =	sld [smem:$0x3FA8]  }
0x2f: {  	lr =	sadd.s32 s0, s3;
	s0 =	sld [smem:$0x3F9F]  }
0x30: {  	s3 =	sld [smem:$0x3FA2]  }
0x31: {  	[smem:$0x3FAB] =	sst s10  }
0x32: {  	s10 =	sld [smem:$0x3FA9];
	_ =	sdelay $0x3  }
0x33: {  	p0 =	seq.s32 s10, $0x1;
	s10 =	sld [smem:$0x3FAB];
	_ =	sdelay $0x3  }
0x34: {  	[smem:$0x3FAB] =	sst s10  }
0x35: {  	s10 =	sld [smem:$0x3FAA];
	_ =	sdelay $0x3  }
0x36: {  	p1 =	seq.s32 s10, $0x1;
	s10 =	sld [smem:$0x3FAB];
	_ =	sdelay $0x3  }
0x37: {  	[smem:$0x3FAB] =	sst s10  }
0x38: {  	s10 =	sld [smem:$0x3FAC]  }
0x39: {  	_ = 	snop;
	(pc) =	sbr.ind lr, $3  }
0x3a: {  	_ = 	snop  }
0x3b: {  	_ = 	snop  }
0x3c: {  	p2 =	seq.s32 s10, $0x1;
	s10 =	sld [smem:$0x3FAB]  }
0x3d: {  	_ =	shalt  }
0x3e: {  	_ =	shalt  }
0x3f: {  	_ =	shalt  }
0x40: {  	_ =	shalt  }
0x41: {  	_ =	shalt  }
0x42: {  	_ =	shalt  }
0x43: {  	_ =	shalt  }
0x44: {  	_ =	shalt  }
0x45: {  	_ =	shalt  }
0x46: {  	_ =	shalt  }
0x47: {  	_ =	shalt  }
0x48: {  	_ =	shalt  }
0x49: {  	_ =	shalt  }
0x4a: {  	_ =	shalt  }
0x4b: {  	_ =	shalt  }
0x4c: {  	_ =	shalt  }
0x4d: {  	_ =	shalt  }
0x4e: {  	_ =	shalt  }
0x4f: {  	_ =	shalt  }
0x50: {  	_ =	shalt  }
0x51: {  	_ =	shalt  }
0x52: {  	_ =	shalt  }
0x53: {  	_ =	shalt  }
0x54: {  	_ =	shalt  }
0x55: {  	_ =	shalt  }
0x56: {  	_ =	shalt  }
0x57: {  	_ =	shalt  }
0x58: {  	_ =	shalt  }
0x59: {  	_ =	shalt  }
0x5a: {  	_ =	shalt  }
0x5b: {  	_ =	shalt  }
0x5c: {  	_ =	shalt  }
0x5d: {  	_ =	shalt  }
0x5e: {  	_ =	shalt  }
0x5f: {  	_ =	shalt  }
0x60: {  	_ =	shalt  }
0x61: {  	_ =	shalt  }
0x62: {  	_ =	shalt  }
0x63: {  	_ =	shalt  }
0x64: {  	_ =	shalt  }
0x65: {  	_ =	shalt  }
0x66: {  	_ =	shalt  }
0x67: {  	_ =	shalt  }
0x68: {  	_ =	shalt  }
0x69: {  	_ =	shalt  }
0x6a: {  	_ =	shalt  }
0x6b: {  	_ =	shalt  }
0x6c: {  	_ =	shalt  }
0x6d: {  	_ =	shalt  }
0x6e: {  	_ =	shalt  }
0x6f: {  	_ =	shalt  }
0x70: {  	_ =	shalt  }
0x71: {  	_ =	shalt  }
0x72: {  	_ =	shalt  }
0x73: {  	_ =	shalt  }
0x74: {  	_ =	shalt  }
0x75: {  	_ =	shalt  }
0x76: {  	_ =	shalt  }
0x77: {  	_ =	shalt  }
0x78: {  	_ =	shalt  }
0x79: {  	_ =	shalt  }
0x7a: {  	_ =	shalt  }
0x7b: {  	_ =	shalt  }
0x7c: {  	_ =	shalt  }
0x7d: {  	_ =	shalt  }
0x7e: {  	_ =	shalt  }
0x7f: {  	_ =	shalt  }
0x80: {  	_ =	shalt  }
0x81: {  	_ =	shalt  }
0x82: {  	_ =	shalt  }
0x83: {  	_ =	shalt  }
0x84: {  	_ =	shalt  }
0x85: {  	_ =	shalt  }
0x86: {  	_ =	shalt  }
0x87: {  	_ =	shalt  }
.Lfunc_end0:
.L_simem_size_0:
called_computation.2_lowered:
.L_overlay_start_0:
0x88: {  	s2 =	sld [smem:$0x3FD9]  }
0x89: {  	s3 =	sld [smem:$0x3FFE];
	_ =	sdelay $0x1  }
0x8a: {  	s1 =	srdreg.scid  }
0x8b: {  	s0 =	sand.u32 $0x1, s1  }
0x8c: {  	s17 =	sshll.u32 s0, $0xA;
	s2 =	sadd.s32 s3, s2  }
0x8d: {  	s2 =	sadd.s32 s2, s17  }
0x8e: {  	[smem:$0x3FB7] =	sst s2  }
0x8f: {  	_ = 	snop  }
0x90: {  	s2 =	sld [smem:$0x3FD0];
	(tm) =	ssettm $0x1  }
0x91: {  	s18 =	sld [smem:$0x3FFB];
	_ =	sdelay $0x3  }
0x92: {  	_ =	strace s18  }
0x93: {  	s3 =	sld [smem:$0x3FFC];
	_ =	sdelay $0x3  }
0x94: {  	_ =	strace s3  }
0x95: {  	s3 =	sld [smem:$0x3FFD];
	_ =	sdelay $0x3  }
0x96: {  	_ =	strace s3  }
0x97: {  	_ =	strace $0x8FFFFFFF  }
0x98: {  	s19 =	sld [smem:$0x3FDB];
	_ =	sdelay $0x1  }
0x99: {  	s4 =	simm.s32 $_scs_section_size  }
0x9a: {  	s5 =	simm.s32 $_size__tile_overlayer_lowered;
	s6 =	simm.s32 $_tile_overlayer_lowered  }
0x9b: {  	s22 =	simm.s32 $0x1BFF;
	s21 =	sshll.u32 s6, $0x1;
	s3 =	sadd.s32 s4, s19  }
0x9c: {  	s7 =	simm.s32 $0x0;
	s20 =	sshll.u32 s5, $0x1;
	s5 =	sadd.s32 s21, s3  }
0x9d: {  	[timem:s7], [sflag:s22] =	dma.local [hbm:s5], s20  }
0x9e: {  	_ =	swait.ge [sflag:s22], s20  }
0x9f: {  	s4 =	ssub.s32 $0x0, s20;
	[sflag:s22] =	ssyncset.done $0x0  }
0xa0: {  	[sflag:s22] =	ssyncadd.s32 s4;
	_ =	sdelay $0x1  }
0xa1: {  	s23 =	simm.s32 $0x1B8B  }
0xa2: {  	_ =	swait.ge [sflag:s23], $0x1  }
0xa3: {  	[sflag:s23] =	ssyncset.done $0x0  }
0xa4: {  	s25 =	simm.s32 $0x1B8E;
	s24 =	sld [smem:$0x3FFE];
	[sflag:s23] =	ssyncadd.s32 $0xFFFFFFFF  }
0xa5: {  	s26 =	simm.s32 $execute0_lowered;
	[smem:$0x3FD2] =	sst s25  }
0xa6: {  	s5 =	sshll.u32 s26, $0x1;
	_ =	strace $0x8000004C;
	[dreg:$0x1] =	wrdreg $0xFFFFFFFF  }
0xa7: {  	s28 =	simm.s32 $_size_execute0_lowered;
	s3 =	sadd.s32 s3, s5;
	[dreg:$0x0] =	wrdreg $0x0  }
0xa8: {  	s5 =	sshll.u32 s28, $0x1;
	[dreg:$0x2] =	wrdreg s3  }
0xa9: {  	[dreg:$0x3] =	wrdreg s5  }
0xaa: {  	[dreg:$0x4] =	wrdreg $0xC0  }
0xab: {  	_ =	task [dreg:s7], $0x5FFFF  }
0xac: {  	[dreg:$0x1] =	wrdreg $0xFFFFFFFF  }
0xad: {  	[dreg:$0x0] =	wrdreg $0x60  }
0xae: {  	[dreg:$0x2] =	wrdreg s2  }
0xaf: {  	[dreg:$0x3] =	wrdreg s24  }
0xb0: {  	[dreg:$0x4] =	wrdreg $0x21000  }
0xb1: {  	[dreg:$0x5] =	wrdreg $0x9  }
0xb2: {  	_ =	task.clear_ibuf [dreg:s7], $0x6FFFF;
	_ =	strace $0x9000004C  }
0xb3: {  	s29 =	simm.s32 $0x9;
	_ =	strace $0x8000004E  }
0xb4: {  	_ =	swait.ge [sflag:s29], $0x1  }
0xb5: {  	[sflag:s29] =	ssyncadd.s32 $0xFFFFFFFF  }
0xb6: {  	_ =	strace $0x9000004E  }
0xb7: {  	_ =	sfence  }
0xb8: {  	s30 =	sld [smem:$0x0];
	_ =	sdelay $0x2  }
0xb9: {  	s31 =	sshll.u32 s1, $0xD;
	s1 =	sshrl.u32 s1, $0x2  }
0xba: {  	s3 =	sand.u32 $0x4000, s31;
	s1 =	sadd.s32 s1, s30  }
0xbb: {  	s0 =	sor.u32 s3, s0;
	s1 =	sshll.u32 s1, $0x11  }
0xbc: {  	s0 =	sor.u32 s1, s0  }
0xbd: {  	s0 =	sadd.s32 $0x8F2B, s0  }
0xbe: {  	[sflag:s0] =	ssyncadd.remote.s32 $0x1  }
0xbf: {  	_ =	sfence.sel $0xFFFF  }
0xc0: {  	[dreg:$0x0] =	wrdreg $0xFFFFFFFF;
	(pc) =	sbr.abs _section_cstart, $3  }
0xc1: {  	[dreg:$0x1] =	wrdreg $0xFFFFFFFF  }
0xc2: {  	_ =	task.clear_ibuf [dreg:s7], $0x2FFFF;
	_ =	strace $0x9FFFFFFF  }
0xc3: {  	(tm) =	ssettm $0x7FFFFFFF  }
tec
execute0_lowered:
.L_overlay_start_1:
0x0: {  	(tag) =	ssettag $0x1  }
0x1: {  	s1 =	rddreg [dreg:$0x0]  }
0x2: {  	s6 =	rddreg [dreg:$0x1]  }
0x3: {  	s3 =	rddreg [dreg:$0x2];
	s4 =	srdreg.scid  }
0x4: {  	s0 =	rddreg [dreg:$0x3];
	s2 =	stileid.u32  }
0x5: {  	s19 =	simm.s32 $0x100;
	s20 =	simm.s32 $0x1;
	s21 =	simm.s32 $0x0  }
0x6: {  	s5 =	sand.u32 $0x1, s4;
	s7 =	sshll.u32 s2, $0x8;
	s9 =	smul.u32 $0xA000, s2  }
0x7: {  	s4 =	simm.s32 $0x0;
	s10 =	smul.u32 $0x28000, s2;
	s30 =	sshll.u32 s2, $0x6  }
0x8: {  	p0 =	slt.u32 s2, $0x2;
	s8 =	sshll.u32 s5, $0x7;
	s25 =	smul.u32 $0xA0000, s5  }
0x9: {  	[smem:$0x7FF] =	sst s4;
	s28 =	ssub.s32 $0x2, s5;
	s5 =	sadd.s32 $0x16600, s6  }
0xa: {  	s7 =	sor.u32 s8, s7;
	_ =	strace $0x8000004D;
	s29 =	sshrl.u32 s28, $0x1  }
0xb: {  	s31 =	sshrl.u32 s10, $0x2;
	s14 =	sadd.s32 s9, s3;
	s7 =	sshrl.u32 s7, $0x3  }
0xc: {  	s26 =	sadd.s32 s9, s25;
	s13 =	ssub.s32 s28, s29;
	s11 =	sadd.s32 s7, s6  }
0xd: {  	s7 =	sshrl.u32 s26, $0x3;
	s9 =	smax.u32 s13, $0x1;
	s13 =	simm.s32 $0x2  }
0xe: {  	s12 =	sadd.s32 s7, s6;
	s6 =	sor.u32 $0x1C02, s30;
	s7 =	sadd.s32 s31, s3  }
0xf: {  	s10 =	sadd.s32 $0x2800, s11;
	s11 =	sadd.s32 $0xC600, s11;
	s15 =	sadd.s32 $0x2000, s7  }
0x10: {  	s16 =	sadd.s32 $0x4000, s7;
	s17 =	sadd.s32 $0x6000, s7;
	s18 =	sadd.s32 $0x8000, s7  }
0x11: {  	s7 =	simm.s32 $0x4F;
	s8 =	sadd.s32 $0x16A00, s12;
	s12 =	sshrl.u32 s14, $0x3  }
0x12: {  	s7 =	simm.s32 @!p0 $0x4E;
	s14 =	sshrl.u32 s15, $0x3;
	s15 =	sshrl.u32 s16, $0x3  }
0x13: {  	s16 =	sshrl.u32 s17, $0x3;
	s17 =	sshrl.u32 s18, $0x3;
	s18 =	simm.s32 $0x80  }
.LBB2_1:
0x14: {  	[spmem:s12], [sflag:s6] =	dma.local [hbm:s5], $0x400  }
0x15: {  	_ =	swait.ge [sflag:s13], $0x400  }
0x16: {  	[sflag:s13] =	ssyncset.done $0x0  }
0x17: {  	[sflag:s13] =	ssyncadd.s32 $0xFFFFFC00  }
0x18: {  	[spmem:s14], [sflag:s6] =	dma.local [hbm:s5], $0x400  }
0x19: {  	_ =	swait.ge [sflag:s13], $0x400  }
0x1a: {  	[sflag:s13] =	ssyncset.done $0x0  }
0x1b: {  	[sflag:s13] =	ssyncadd.s32 $0xFFFFFC00  }
0x1c: {  	[spmem:s15], [sflag:s6] =	dma.local [hbm:s5], $0x400  }
0x1d: {  	_ =	swait.ge [sflag:s13], $0x400  }
0x1e: {  	[sflag:s13] =	ssyncset.done $0x0  }
0x1f: {  	[sflag:s13] =	ssyncadd.s32 $0xFFFFFC00  }
0x20: {  	[spmem:s16], [sflag:s6] =	dma.local [hbm:s5], $0x400  }
0x21: {  	_ =	swait.ge [sflag:s13], $0x400  }
0x22: {  	[sflag:s13] =	ssyncset.done $0x0  }
0x23: {  	[sflag:s13] =	ssyncadd.s32 $0xFFFFFC00  }
0x24: {  	[spmem:s17], [sflag:s6] =	dma.local [hbm:s5], $0x400  }
0x25: {  	_ =	swait.ge [sflag:s13], $0x400  }
0x26: {  	[sflag:s13] =	ssyncset.done $0x0  }
0x27: {  	[sflag:s13] =	ssyncadd.s32 $0xFFFFFC00  }
0x28: {  	[bflag:$0x0] =	sbarrier.arrive $0xFFFF  }
0x29: {  	[tilespmem:s4], [sflag:$0x2] =	stream.linear.gather [hbm4b:s11+s4], $0x80, $0x38;
	[tilespmem:$0xC100] =	vst v63  }
0x2a: {  	_ =	swait.ge [sflag:s13], $0x80  }
0x2b: {  	[sflag:s13] =	ssyncset.done $0x0  }
0x2c: {  	[sflag:s13] =	ssyncadd.s32 $0xFFFFFF80  }
0x2d: {  	[tilespmem:s18], [sflag:$0x2] =	stream.linear.gather [hbm4b:s10+s4], $0x80, $0x38;
	[tilespmem:$0xC100] =	vst v63  }
0x2e: {  	_ =	swait.ge [sflag:s13], $0x80  }
0x2f: {  	[sflag:s13] =	ssyncset.done $0x0  }
0x30: {  	[sflag:s13] =	ssyncadd.s32 $0xFFFFFF80  }
0x31: {  	[tilespmem:s19], [sflag:$0x1] =	stream.indirect.gather [hbm4b:s1+s18], $0x40, s4, s18, $0xb8;
	[tilespmem:$0xC100] =	vst v63  }
0x32: {  	p0 =	sne.s32 s7, $0x1;
	_ =	swait.ge [sflag:s20], $0x2000  }
.Ltmp0:
0x33: {  	[sflag:s20] =	ssyncset.done $0x0;
	(pc) =	sbr.rel @!p0 .LBB2_3-.Ltmp0, $4  }
0x34: {  	[sflag:s20] =	ssyncadd.s32 $0xFFFFE000  }
0x35: {  	[spmem:s3] =	stream.indirect.scatter.add.f32 [tilespmem:s19], [sflag:$0x2], $0x40, s18, s18, $0xb8;
	[tilespmem:$0xC100] =	vst v63  }
0x36: {  	s22 =	sadd.s32 $0xFFFFFFFF, s7;
	_ =	swait.ge [sflag:s13], $0x2000  }
0x37: {  	s23 =	smov.u32 s10;
	s24 =	smov.u32 s11;
	[sflag:s13] =	ssyncset.done $0x0  }
.LBB2_2:
0x38: {  	[sflag:s13] =	ssyncadd.s32 $0xFFFFE000;
	s23 =	sadd.s32 $0x200, s23;
	s24 =	sadd.s32 $0x200, s24  }
0x39: {  	[tilespmem:s4], [sflag:$0x2] =	stream.linear.gather [hbm4b:s24+s4], $0x80, $0x38;
	[tilespmem:$0xC100] =	vst v63  }
0x3a: {  	p0 =	sne.s32 s22, $0x1;
	s22 =	sadd.s32 $0xFFFFFFFF, s22;
	_ =	swait.ge [sflag:s13], $0x80  }
0x3b: {  	[sflag:s13] =	ssyncset.done $0x0  }
0x3c: {  	[sflag:s13] =	ssyncadd.s32 $0xFFFFFF80  }
0x3d: {  	[tilespmem:s18], [sflag:$0x2] =	stream.linear.gather [hbm4b:s23+s4], $0x80, $0x38;
	[tilespmem:$0xC100] =	vst v63  }
0x3e: {  	_ =	swait.ge [sflag:s13], $0x80  }
0x3f: {  	[sflag:s13] =	ssyncset.done $0x0  }
0x40: {  	[sflag:s13] =	ssyncadd.s32 $0xFFFFFF80  }
0x41: {  	[tilespmem:s19], [sflag:$0x1] =	stream.indirect.gather [hbm4b:s1+s18], $0x40, s4, s18, $0xb8;
	[tilespmem:$0xC100] =	vst v63  }
0x42: {  	_ =	swait.ge [sflag:s20], $0x2000  }
.Ltmp1:
0x43: {  	[sflag:s20] =	ssyncset.done $0x0;
	(pc) =	sbr.rel @p0 .LBB2_2-.Ltmp1, $4  }
0x44: {  	[sflag:s20] =	ssyncadd.s32 $0xFFFFE000  }
0x45: {  	[spmem:s3] =	stream.indirect.scatter.add.f32 [tilespmem:s19], [sflag:$0x2], $0x40, s18, s18, $0xb8;
	[tilespmem:$0xC100] =	vst v63  }
0x46: {  	_ =	swait.ge [sflag:s13], $0x2000  }
0x47: {  	[sflag:s13] =	ssyncset.done $0x0  }
.LBB2_3:
0x48: {  	s21 =	sadd.s32 $0x1, s21  }
0x49: {  	[sflag:s13] =	ssyncadd.s32 $0xFFFFE000;
	p0 =	sne.s32 s21, s9  }
.Ltmp2:
0x4a: {  	[bflag:$0x0] =	sbarrier.arrive $0xFFFF;
	(pc) =	sbr.rel @p0 .LBB2_1-.Ltmp2, $4  }
0x4b: {  	[hbm:s8], [sflag:s6] =	dma.local [spmem:s12], $0x1400  }
0x4c: {  	_ =	swait.ge [sflag:s13], $0x1400  }
0x4d: {  	[sflag:s13] =	ssyncset.done $0x0  }
0x4e: {  	[sflag:s13] =	ssyncadd.s32 $0xFFFFEC00  }
0x4f: {  	_ =	sfence.sel $0x180000  }
0x50: {  	[bflag:$0x0] =	sbarrier.arrive $0xFFFF  }
0x51: {  	p0 =	sne.s32 s2, $0x0;
	_ =	strace $0x9000004D  }
0x52: {  	s0 =	sadd.s32 @!p0 $0x100000, s0;
	[bflag:$0x2] =	sbarrier.arrive $0xFFFF  }
0x53: {  	[sflag:s0] =	ssyncadd.tile.s32 @!p0 $0x1;
	_ =	shalt  }
.Lfunc_end2:
_tile_overlayer_lowered:
.L_overlay_start_2:
0x54: {  	(tag) =	ssettag $0x2  }
0x55: {  	s0 =	rddreg [dreg:$0x0];
	s2 =	stileid.u32  }
0x56: {  	s1 =	rddreg [dreg:$0x1];
	p0 =	sne.s32 s2, $0x0  }
0x57: {  	s3 =	rddreg [dreg:$0x2];
	[bflag:$0x3] =	sbarrier.arrive $0xFFFF;
	s2 =	simm.s32 @!p0 $0x1C02  }
0x58: {  	[timem:s3], [sflag:s2] =	dma.local @!p0 [hbm:s0], s1  }
0x59: {  	s0 =	simm.s32 @!p0 $0x2  }
0x5a: {  	_ =	swait.ge @!p0 [sflag:s0], s1  }
0x5b: {  	s1 =	ssub.s32 @!p0 $0x0, s1;
	[sflag:s0] =	ssyncset.done @!p0 $0x0  }
0x5c: {  	[sflag:s0] =	ssyncadd.s32 @!p0 s1  }
0x5d: {  	[bflag:$0x3] =	sbarrier.arrive $0xFFFF  }
0x5e: {  	_ =	shalt  }

// kernel: kernel.9.cloned.1.call-start
scs
__scs_entry_jumppad:
0x0: {  	(pc) =	sbr.rel $0x88, $3  }
0x1: {  	(tag) =	ssettag $0x0;
	lr =	simm.s32 $0x1  }
0x2: {  	[smem:$0x3F90] =	sst lr;
	_ =	strace $0xD0000000  }
0x3: {  	_ = 	snop  }
0x4: {  	_ = 	snop  }
0x5: {  	_ = 	snop  }
0x6: {  	_ = 	snop  }
0x7: {  	_ = 	snop  }
__scs_overlays_trampoline_lowered:
0x8: {  	[smem:$0x3F9F] =	sst s0  }
0x9: {  	[smem:$0x3FA0] =	sst s1  }
0xa: {  	[smem:$0x3FA1] =	sst s2  }
0xb: {  	[smem:$0x3FA2] =	sst s3  }
0xc: {  	[smem:$0x3FA3] =	sst s4  }
0xd: {  	[smem:$0x3FA4] =	sst s5  }
0xe: {  	[smem:$0x3FA5] =	sst s6  }
0xf: {  	[smem:$0x3FA6] =	sst s7  }
0x10: {  	[smem:$0x3FA7] =	sst s8  }
0x11: {  	[smem:$0x3FA8] =	sst s9;
	s0 =	simm.s32 @!p0 $0x0  }
0x12: {  	s1 =	sld [smem:$0x3F8E];
	s0 =	simm.s32 @p0 $0x1  }
0x13: {  	[smem:$0x3FA9] =	sst s0;
	s0 =	simm.s32 @!p1 $0x0  }
0x14: {  	s2 =	sld [smem:$0x3F8D];
	s0 =	simm.s32 @p1 $0x1  }
0x15: {  	[smem:$0x3FAA] =	sst s0;
	s0 =	simm.s32 @!p2 $0x0  }
0x16: {  	s3 =	sld [smem:$0x3FDB];
	s0 =	simm.s32 @p2 $0x1  }
0x17: {  	s4 =	simm.s32 $0x1BF5;
	[smem:$0x3FAC] =	sst s0  }
0x18: {  	s0 =	sld [smem:$0x3F8F];
	_ =	swait.ge [sflag:s4], $0x0  }
0x19: {  	s7 =	sld [smem:$0x3F90]  }
0x1a: {  	s8 =	sadd.s32 $0xFFFFE003, lr  }
0x1b: {  	s9 =	sadd.s32 $0xFFFFFEF7, lr;
	s5 =	simm.s32 $0xFFFFFFFF;
	p2 =	slt.u32 s8, $0xFFFFF086  }
0x1c: {  	p1 =	slt.u32 s9, $0xF7A;
	s5 =	simm.s32 @!p2 $0x0  }
0x1d: {  	s5 =	simm.s32 @p1 $0x1;
	p0 =	seq.s32 s7, s2  }
0x1e: {  	s7 =	smul.u32 @!p0 $0xF7A, s2;
	p2 =	seq.s32 @!p0 s5, $0x0  }
0x1f: {  	s9 =	smul.u32 $0xF7A, s1;
	s8 =	simm.s32 @!p0 $0x1BF5;
	p2 =	por !p2, p0  }
0x20: {  	[sflag:s8] =	ssyncset.s32 @!p0 $0xFFFFF086;
	s6 =	sadd.s32 @!p0 s3, s7;
	s7 =	simm.s32 @!p0 $0x108  }
0x21: {  	s3 =	sadd.s32 s3, s9;
	s6 =	sadd.s32 @!p0 $0x88, s6;
	s7 =	simm.s32 @p2 $0x1082  }
0x22: {  	[simem:s7], [sflag:s8] =	dma.local @!p0 [hbm:s6], $0xF7A  }
0x23: {  	s9 =	sor.u32 $0xD0000000, s2;
	s6 =	simm.s32 $0x108;
	_ =	swait.ge @!p0 [sflag:s8], $0x0  }
0x24: {  	s3 =	sadd.s32 $0x88, s3;
	s6 =	simm.s32 @!p1 $0x1082;
	[sflag:s4] =	ssyncset.s32 $0xFFFFF086  }
0x25: {  	[simem:s6], [sflag:s4] =	dma.local [hbm:s3], $0xF7A  }
0x26: {  	[smem:$0x3F90] =	sst s1;
	(tag) =	ssettag s2;
	_ =	strace s9  }
0x27: {  	s1 =	sld [smem:$0x3FA0]  }
0x28: {  	s2 =	sld [smem:$0x3FA1]  }
0x29: {  	s4 =	sld [smem:$0x3FA3]  }
0x2a: {  	p0 =	seq.s32 s5, $0x0;
	s5 =	sld [smem:$0x3FA4]  }
0x2b: {  	s6 =	sld [smem:$0x3FA5]  }
0x2c: {  	s7 =	sld [smem:$0x3FA6]  }
0x2d: {  	s3 =	simm.s32 $0x108;
	s8 =	sld [smem:$0x3FA7]  }
0x2e: {  	s3 =	simm.s32 @!p0 $0x1082;
	s9 =	sld [smem:$0x3FA8]  }
0x2f: {  	lr =	sadd.s32 s0, s3;
	s0 =	sld [smem:$0x3F9F]  }
0x30: {  	s3 =	sld [smem:$0x3FA2]  }
0x31: {  	[smem:$0x3FAB] =	sst s10  }
0x32: {  	s10 =	sld [smem:$0x3FA9];
	_ =	sdelay $0x3  }
0x33: {  	p0 =	seq.s32 s10, $0x1;
	s10 =	sld [smem:$0x3FAB];
	_ =	sdelay $0x3  }
0x34: {  	[smem:$0x3FAB] =	sst s10  }
0x35: {  	s10 =	sld [smem:$0x3FAA];
	_ =	sdelay $0x3  }
0x36: {  	p1 =	seq.s32 s10, $0x1;
	s10 =	sld [smem:$0x3FAB];
	_ =	sdelay $0x3  }
0x37: {  	[smem:$0x3FAB] =	sst s10  }
0x38: {  	s10 =	sld [smem:$0x3FAC]  }
0x39: {  	_ = 	snop;
	(pc) =	sbr.ind lr, $3  }
0x3a: {  	_ = 	snop  }
0x3b: {  	_ = 	snop  }
0x3c: {  	p2 =	seq.s32 s10, $0x1;
	s10 =	sld [smem:$0x3FAB]  }
0x3d: {  	_ =	shalt  }
0x3e: {  	_ =	shalt  }
0x3f: {  	_ =	shalt  }
0x40: {  	_ =	shalt  }
0x41: {  	_ =	shalt  }
0x42: {  	_ =	shalt  }
0x43: {  	_ =	shalt  }
0x44: {  	_ =	shalt  }
0x45: {  	_ =	shalt  }
0x46: {  	_ =	shalt  }
0x47: {  	_ =	shalt  }
0x48: {  	_ =	shalt  }
0x49: {  	_ =	shalt  }
0x4a: {  	_ =	shalt  }
0x4b: {  	_ =	shalt  }
0x4c: {  	_ =	shalt  }
0x4d: {  	_ =	shalt  }
0x4e: {  	_ =	shalt  }
0x4f: {  	_ =	shalt  }
0x50: {  	_ =	shalt  }
0x51: {  	_ =	shalt  }
0x52: {  	_ =	shalt  }
0x53: {  	_ =	shalt  }
0x54: {  	_ =	shalt  }
0x55: {  	_ =	shalt  }
0x56: {  	_ =	shalt  }
0x57: {  	_ =	shalt  }
0x58: {  	_ =	shalt  }
0x59: {  	_ =	shalt  }
0x5a: {  	_ =	shalt  }
0x5b: {  	_ =	shalt  }
0x5c: {  	_ =	shalt  }
0x5d: {  	_ =	shalt  }
0x5e: {  	_ =	shalt  }
0x5f: {  	_ =	shalt  }
0x60: {  	_ =	shalt  }
0x61: {  	_ =	shalt  }
0x62: {  	_ =	shalt  }
0x63: {  	_ =	shalt  }
0x64: {  	_ =	shalt  }
0x65: {  	_ =	shalt  }
0x66: {  	_ =	shalt  }
0x67: {  	_ =	shalt  }
0x68: {  	_ =	shalt  }
0x69: {  	_ =	shalt  }
0x6a: {  	_ =	shalt  }
0x6b: {  	_ =	shalt  }
0x6c: {  	_ =	shalt  }
0x6d: {  	_ =	shalt  }
0x6e: {  	_ =	shalt  }
0x6f: {  	_ =	shalt  }
0x70: {  	_ =	shalt  }
0x71: {  	_ =	shalt  }
0x72: {  	_ =	shalt  }
0x73: {  	_ =	shalt  }
0x74: {  	_ =	shalt  }
0x75: {  	_ =	shalt  }
0x76: {  	_ =	shalt  }
0x77: {  	_ =	shalt  }
0x78: {  	_ =	shalt  }
0x79: {  	_ =	shalt  }
0x7a: {  	_ =	shalt  }
0x7b: {  	_ =	shalt  }
0x7c: {  	_ =	shalt  }
0x7d: {  	_ =	shalt  }
0x7e: {  	_ =	shalt  }
0x7f: {  	_ =	shalt  }
0x80: {  	_ =	shalt  }
0x81: {  	_ =	shalt  }
0x82: {  	_ =	shalt  }
0x83: {  	_ =	shalt  }
0x84: {  	_ =	shalt  }
0x85: {  	_ =	shalt  }
0x86: {  	_ =	shalt  }
0x87: {  	_ =	shalt  }
.Lfunc_end0:
.L_simem_size_0:
called_computation_lowered:
.L_overlay_start_0:
0x88: {  	s2 =	sld [smem:$0x3FD9]  }
0x89: {  	s3 =	sld [smem:$0x3FFE];
	_ =	sdelay $0x1  }
0x8a: {  	s1 =	srdreg.scid  }
0x8b: {  	s0 =	sand.u32 $0x1, s1  }
0x8c: {  	s17 =	sshll.u32 s0, $0xA;
	s2 =	sadd.s32 s3, s2  }
0x8d: {  	s2 =	sadd.s32 s2, s17  }
0x8e: {  	[smem:$0x3FB7] =	sst s2  }
0x8f: {  	_ = 	snop  }
0x90: {  	s2 =	sld [smem:$0x3FD0];
	(tm) =	ssettm $0x1  }
0x91: {  	s18 =	sld [smem:$0x3FFB];
	_ =	sdelay $0x3  }
0x92: {  	_ =	strace s18  }
0x93: {  	s3 =	sld [smem:$0x3FFC];
	_ =	sdelay $0x3  }
0x94: {  	_ =	strace s3  }
0x95: {  	s3 =	sld [smem:$0x3FFD];
	_ =	sdelay $0x3  }
0x96: {  	_ =	strace s3  }
0x97: {  	_ =	strace $0x8FFFFFFF  }
0x98: {  	s19 =	sld [smem:$0x3FDB];
	_ =	sdelay $0x1  }
0x99: {  	s4 =	simm.s32 $_scs_section_size  }
0x9a: {  	s5 =	simm.s32 $_size__tile_overlayer_lowered;
	s6 =	simm.s32 $_tile_overlayer_lowered  }
0x9b: {  	s22 =	simm.s32 $0x1BFF;
	s21 =	sshll.u32 s6, $0x1;
	s3 =	sadd.s32 s4, s19  }
0x9c: {  	s7 =	simm.s32 $0x0;
	s20 =	sshll.u32 s5, $0x1;
	s5 =	sadd.s32 s21, s3  }
0x9d: {  	[timem:s7], [sflag:s22] =	dma.local [hbm:s5], s20  }
0x9e: {  	_ =	swait.ge [sflag:s22], s20  }
0x9f: {  	s4 =	ssub.s32 $0x0, s20;
	[sflag:s22] =	ssyncset.done $0x0  }
0xa0: {  	[sflag:s22] =	ssyncadd.s32 s4;
	_ =	sdelay $0x1  }
0xa1: {  	s23 =	simm.s32 $0x1B8B  }
0xa2: {  	_ =	swait.ge [sflag:s23], $0x1  }
0xa3: {  	[sflag:s23] =	ssyncset.done $0x0  }
0xa4: {  	s25 =	simm.s32 $0x1B8E;
	s24 =	sld [smem:$0x3FFE];
	[sflag:s23] =	ssyncadd.s32 $0xFFFFFFFF  }
0xa5: {  	s26 =	simm.s32 $execute0_lowered;
	[smem:$0x3FD2] =	sst s25  }
0xa6: {  	s5 =	sshll.u32 s26, $0x1;
	_ =	strace $0x80000046;
	[dreg:$0x1] =	wrdreg $0xFFFFFFFF  }
0xa7: {  	s28 =	simm.s32 $_size_execute0_lowered;
	s3 =	sadd.s32 s3, s5;
	[dreg:$0x0] =	wrdreg $0x0  }
0xa8: {  	s5 =	sshll.u32 s28, $0x1;
	[dreg:$0x2] =	wrdreg s3  }
0xa9: {  	[dreg:$0x3] =	wrdreg s5  }
0xaa: {  	[dreg:$0x4] =	wrdreg $0xC0  }
0xab: {  	_ =	task [dreg:s7], $0x5FFFF  }
0xac: {  	[dreg:$0x1] =	wrdreg $0xFFFFFFFF  }
0xad: {  	[dreg:$0x0] =	wrdreg $0x60  }
0xae: {  	[dreg:$0x2] =	wrdreg s2  }
0xaf: {  	[dreg:$0x3] =	wrdreg s24  }
0xb0: {  	[dreg:$0x4] =	wrdreg $0x21000  }
0xb1: {  	[dreg:$0x5] =	wrdreg $0xC9000  }
0xb2: {  	[dreg:$0x6] =	wrdreg $0x9  }
0xb3: {  	_ =	task.clear_ibuf [dreg:s7], $0x7FFFF;
	_ =	strace $0x90000046  }
0xb4: {  	s29 =	simm.s32 $0x9;
	_ =	strace $0x80000048  }
0xb5: {  	_ =	swait.ge [sflag:s29], $0x1  }
0xb6: {  	[sflag:s29] =	ssyncadd.s32 $0xFFFFFFFF  }
0xb7: {  	_ =	strace $0x90000048  }
0xb8: {  	_ =	sfence  }
0xb9: {  	s30 =	sld [smem:$0x0];
	_ =	sdelay $0x2  }
0xba: {  	s31 =	sshll.u32 s1, $0xD;
	s1 =	sshrl.u32 s1, $0x2  }
0xbb: {  	s3 =	sand.u32 $0x4000, s31;
	s1 =	sadd.s32 s1, s30  }
0xbc: {  	s0 =	sor.u32 s3, s0;
	s1 =	sshll.u32 s1, $0x11  }
0xbd: {  	s0 =	sor.u32 s1, s0  }
0xbe: {  	s0 =	sadd.s32 $0x8F2B, s0  }
0xbf: {  	[sflag:s0] =	ssyncadd.remote.s32 $0x1  }
0xc0: {  	_ =	sfence.sel $0xFFFF  }
0xc1: {  	[dreg:$0x0] =	wrdreg $0xFFFFFFFF;
	(pc) =	sbr.abs _section_cstart, $3  }
0xc2: {  	[dreg:$0x1] =	wrdreg $0xFFFFFFFF  }
0xc3: {  	_ =	task.clear_ibuf [dreg:s7], $0x2FFFF;
	_ =	strace $0x9FFFFFFF  }
0xc4: {  	(tm) =	ssettm $0x7FFFFFFF  }
0xc5: {  	_ =	shalt  }
tec
execute0_lowered:
.L_overlay_start_1:
0x0: {  	(tag) =	ssettag $0x1  }
0x1: {  	s0 =	rddreg [dreg:$0x0]  }
0x2: {  	s1 =	rddreg [dreg:$0x1]  }
0x3: {  	s3 =	rddreg [dreg:$0x2];
	s2 =	srdreg.scid  }
0x4: {  	s4 =	rddreg [dreg:$0x3];
	s18 =	stileid.u32;
	s5 =	simm.s32 $0x0  }
0x5: {  	s28 =	simm.s32 $0xC100;
	s29 =	simm.s32 $0x80;
	s30 =	simm.s32 $0x100  }
0x6: {  	s31 =	simm.s32 $0x1;
	s2 =	sand.u32 $0x1, s2;
	s8 =	smul.u32 $0xA000, s18  }
0x7: {  	s6 =	sshll.u32 s18, $0x8;
	[smem:$0x7FF] =	sst s5;
	s11 =	smul.u32 $0x2800, s18  }
0x8: {  	s13 =	sadd.s32 $0x2600, s1;
	s14 =	smul.u32 $0x280, s18;
	s22 =	sshll.u32 s18, $0x6  }
0x9: {  	p0 =	slt.u32 s18, $0x2;
	s7 =	sshll.u32 s2, $0x7;
	s19 =	smul.u32 $0xA0000, s2  }
0xa: {  	_ =	strace $0x80000047;
	s12 =	smul.u32 $0x28000, s2;
	[dreg:$0x5] =	wrdreg s13  }
0xb: {  	s2 =	ssub.s32 $0x2, s2;
	s6 =	sor.u32 s7, s6;
	s7 =	sadd.s32 $0x16400, s1  }
0xc: {  	s21 =	sshrl.u32 s2, $0x1;
	s23 =	sadd.s32 $0x80, s14;
	s25 =	sadd.s32 $0x100, s14  }
0xd: {  	s6 =	sshrl.u32 s6, $0x3;
	s10 =	sadd.s32 s8, s19;
	s20 =	sadd.s32 s11, s12  }
0xe: {  	s2 =	ssub.s32 s2, s21;
	s8 =	sadd.s32 s8, s3;
	s11 =	sadd.s32 s11, s4  }
0xf: {  	s24 =	sshll.u32 s23, $0x6;
	s26 =	sshll.u32 s25, $0x6;
	s15 =	sshll.u32 s25, $0x4  }
0x10: {  	s19 =	sadd.s32 $0x180, s14;
	s12 =	simm.s32 $0x4F;
	s9 =	sadd.s32 s6, s1  }
0x11: {  	s6 =	sadd.s32 $0x16600, s1;
	s10 =	sshrl.u32 s10, $0x3;
	[dreg:$0x6] =	wrdreg s8  }
0x12: {  	[dreg:$0x7] =	wrdreg s11;
	s16 =	sadd.s32 s24, s3;
	s8 =	sshll.u32 s23, $0x4  }
0x13: {  	s17 =	sadd.s32 s26, s3;
	s21 =	sadd.s32 s15, s4;
	s24 =	sshll.u32 s19, $0x6  }
0x14: {  	s11 =	sshll.u32 s19, $0x4;
	s12 =	simm.s32 @!p0 $0x4E;
	s13 =	sadd.s32 s10, s1  }
0x15: {  	s10 =	sshrl.u32 s20, $0x3;
	s8 =	sadd.s32 s8, s4;
	s20 =	sadd.s32 $0x200, s14  }
0x16: {  	s23 =	sadd.s32 s11, s4;
	s11 =	sadd.s32 $0x2800, s9;
	s18 =	sshrl.u32 s16, $0x3  }
0x17: {  	s21 =	sshrl.u32 s21, $0x3;
	s1 =	sadd.s32 s10, s1;
	s10 =	sor.u32 $0x1C02, s22  }
0x18: {  	s15 =	sshll.u32 s20, $0x6;
	s22 =	sadd.s32 s24, s3;
	s25 =	sshll.u32 s20, $0x4  }
0x19: {  	s26 =	sadd.s32 $0x16A00, s13;
	s13 =	sadd.s32 $0xC600, s9;
	s19 =	sshrl.u32 s8, $0x3  }
0x1a: {  	s20 =	sshrl.u32 s17, $0x3;
	s23 =	sshrl.u32 s23, $0x3;
	s24 =	sadd.s32 s15, s3  }
0x1b: {  	s25 =	sadd.s32 s25, s4;
	[dreg:$0x8] =	wrdreg s26;
	s14 =	sadd.s32 $0x3EA00, s1  }
0x1c: {  	s15 =	smax.u32 s2, $0x1;
	s22 =	sshrl.u32 s22, $0x3;
	s26 =	simm.s32 $0x2  }
0x1d: {  	s1 =	simm.s32 $0x0;
	s24 =	sshrl.u32 s24, $0x3;
	s25 =	sshrl.u32 s25, $0x3  }
.LBB2_1:
0x1e: {  	s2 =	rddreg [dreg:$0x6]  }
0x1f: {  	s2 =	sshrl.u32 s2, $0x3  }
0x20: {  	[spmem:s2], [sflag:s10] =	dma.local [hbm:s6], $0x400  }
0x21: {  	_ =	swait.ge [sflag:s26], $0x400  }
0x22: {  	[sflag:s26] =	ssyncset.done $0x0;
	s8 =	rddreg [dreg:$0x7]  }
0x23: {  	[sflag:s26] =	ssyncadd.s32 $0xFFFFFC00;
	s8 =	sshrl.u32 s8, $0x3  }
0x24: {  	[spmem:s8], [sflag:s10] =	dma.local [hbm:s7], $0x100  }
0x25: {  	_ =	swait.ge [sflag:s26], $0x100  }
0x26: {  	[sflag:s26] =	ssyncset.done $0x0  }
0x27: {  	[sflag:s26] =	ssyncadd.s32 $0xFFFFFF00  }
0x28: {  	[spmem:s18], [sflag:s10] =	dma.local [hbm:s6], $0x400  }
0x29: {  	_ =	swait.ge [sflag:s26], $0x400  }
0x2a: {  	[sflag:s26] =	ssyncset.done $0x0  }
0x2b: {  	[sflag:s26] =	ssyncadd.s32 $0xFFFFFC00  }
0x2c: {  	[spmem:s19], [sflag:s10] =	dma.local [hbm:s7], $0x100  }
0x2d: {  	_ =	swait.ge [sflag:s26], $0x100  }
0x2e: {  	[sflag:s26] =	ssyncset.done $0x0  }
0x2f: {  	[sflag:s26] =	ssyncadd.s32 $0xFFFFFF00  }
0x30: {  	[spmem:s20], [sflag:s10] =	dma.local [hbm:s6], $0x400  }
0x31: {  	_ =	swait.ge [sflag:s26], $0x400  }
0x32: {  	[sflag:s26] =	ssyncset.done $0x0  }
0x33: {  	[sflag:s26] =	ssyncadd.s32 $0xFFFFFC00  }
0x34: {  	[spmem:s21], [sflag:s10] =	dma.local [hbm:s7], $0x100  }
0x35: {  	_ =	swait.ge [sflag:s26], $0x100  }
0x36: {  	[sflag:s26] =	ssyncset.done $0x0  }
0x37: {  	[sflag:s26] =	ssyncadd.s32 $0xFFFFFF00  }
0x38: {  	[spmem:s22], [sflag:s10] =	dma.local [hbm:s6], $0x400  }
0x39: {  	_ =	swait.ge [sflag:s26], $0x400  }
0x3a: {  	[sflag:s26] =	ssyncset.done $0x0  }
0x3b: {  	[sflag:s26] =	ssyncadd.s32 $0xFFFFFC00  }
0x3c: {  	[spmem:s23], [sflag:s10] =	dma.local [hbm:s7], $0x100  }
0x3d: {  	_ =	swait.ge [sflag:s26], $0x100  }
0x3e: {  	[sflag:s26] =	ssyncset.done $0x0  }
0x3f: {  	[sflag:s26] =	ssyncadd.s32 $0xFFFFFF00  }
0x40: {  	[spmem:s24], [sflag:s10] =	dma.local [hbm:s6], $0x400  }
0x41: {  	_ =	swait.ge [sflag:s26], $0x400  }
0x42: {  	[sflag:s26] =	ssyncset.done $0x0  }
0x43: {  	[sflag:s26] =	ssyncadd.s32 $0xFFFFFC00  }
0x44: {  	[spmem:s25], [sflag:s10] =	dma.local [hbm:s7], $0x100  }
0x45: {  	_ =	swait.ge [sflag:s26], $0x100  }
0x46: {  	[sflag:s26] =	ssyncset.done $0x0  }
0x47: {  	s9 =	rddreg [dreg:$0x5];
	[sflag:s26] =	ssyncadd.s32 $0xFFFFFF00  }
0x48: {  	[tilespmem:s28], [sflag:$0x2] =	stream.linear.gather [hbm4b:s9+s5], $0x800, $0x38;
	[tilespmem:$0xF100] =	vst v63  }
0x49: {  	_ =	swait.ge [sflag:s26], $0x800  }
0x4a: {  	[sflag:s26] =	ssyncset.done $0x0  }
0x4b: {  	[sflag:s26] =	ssyncadd.s32 $0xFFFFF800  }
0x4c: {  	[bflag:$0x0] =	sbarrier.arrive $0xFFFF  }
0x4d: {  	[tilespmem:s5], [sflag:$0x2] =	stream.linear.gather [hbm4b:s13+s5], $0x80, $0x38;
	[tilespmem:$0xF100] =	vst v63  }
0x4e: {  	_ =	swait.ge [sflag:s26], $0x80  }
0x4f: {  	[sflag:s26] =	ssyncset.done $0x0  }
0x50: {  	[sflag:s26] =	ssyncadd.s32 $0xFFFFFF80  }
0x51: {  	[tilespmem:s29], [sflag:$0x2] =	stream.linear.gather [hbm4b:s11+s5], $0x80, $0x38;
	[tilespmem:$0xF100] =	vst v63  }
0x52: {  	_ =	swait.ge [sflag:s26], $0x80  }
0x53: {  	[sflag:s26] =	ssyncset.done $0x0  }
0x54: {  	[sflag:s26] =	ssyncadd.s32 $0xFFFFFF80  }
0x55: {  	[tilespmem:s30], [sflag:$0x1] =	stream.indirect.gather [hbm4b:s0+s29], $0x40, s5, s29, $0xb8;
	[tilespmem:$0xF100] =	vst v63  }
0x56: {  	_ =	swait.ge [sflag:s31], $0x2000  }
0x57: {  	[sflag:s31] =	ssyncset.done $0x0  }
0x58: {  	[sflag:s31] =	ssyncadd.s32 $0xFFFFE000  }
0x59: {  	[spmem:s3] =	stream.indirect.scatter.add.f32 [tilespmem:s30], [sflag:$0x2], $0x40, s29, s29, $0xb8;
	[tilespmem:$0xF100] =	vst v63  }
0x5a: {  	p0 =	sne.s32 s12, $0x1;
	_ =	swait.ge [sflag:s26], $0x2000  }
.Ltmp0:
0x5b: {  	[sflag:s26] =	ssyncset.done $0x0;
	(pc) =	sbr.rel @!p0 .LBB2_3-.Ltmp0, $4  }
0x5c: {  	[sflag:s26] =	ssyncadd.s32 $0xFFFFE000  }
0x5d: {  	[spmem:s4] =	stream.indirect.scatter.add.f32 [tilespmem:s28], [sflag:$0x2], $0x10, s29, s29, $0xb8;
	[tilespmem:$0xF100] =	vst v63  }
0x5e: {  	s16 =	smov.u32 s11;
	_ =	swait.ge [sflag:s26], $0x800  }
0x5f: {  	s17 =	smov.u32 s13;
	s9 =	sadd.s32 $0xFFFFFFFF, s12;
	[sflag:s26] =	ssyncset.done $0x0  }
.LBB2_2:
0x60: {  	[sflag:s26] =	ssyncadd.s32 $0xFFFFF800;
	s16 =	sadd.s32 $0x200, s16;
	s17 =	sadd.s32 $0x200, s17  }
0x61: {  	[tilespmem:s5], [sflag:$0x2] =	stream.linear.gather [hbm4b:s17+s5], $0x80, $0x38;
	[tilespmem:$0xF100] =	vst v63  }
0x62: {  	p0 =	sne.s32 s9, $0x1;
	s9 =	sadd.s32 $0xFFFFFFFF, s9;
	_ =	swait.ge [sflag:s26], $0x80  }
0x63: {  	[sflag:s26] =	ssyncset.done $0x0  }
0x64: {  	[sflag:s26] =	ssyncadd.s32 $0xFFFFFF80  }
0x65: {  	[tilespmem:s29], [sflag:$0x2] =	stream.linear.gather [hbm4b:s16+s5], $0x80, $0x38;
	[tilespmem:$0xF100] =	vst v63  }
0x66: {  	_ =	swait.ge [sflag:s26], $0x80  }
0x67: {  	[sflag:s26] =	ssyncset.done $0x0  }
0x68: {  	[sflag:s26] =	ssyncadd.s32 $0xFFFFFF80  }
0x69: {  	[tilespmem:s30], [sflag:$0x1] =	stream.indirect.gather [hbm4b:s0+s29], $0x40, s5, s29, $0xb8;
	[tilespmem:$0xF100] =	vst v63  }
0x6a: {  	_ =	swait.ge [sflag:s31], $0x2000  }
0x6b: {  	[sflag:s31] =	ssyncset.done $0x0  }
0x6c: {  	[sflag:s31] =	ssyncadd.s32 $0xFFFFE000  }
0x6d: {  	[spmem:s3] =	stream.indirect.scatter.add.f32 [tilespmem:s30], [sflag:$0x2], $0x40, s29, s29, $0xb8;
	[tilespmem:$0xF100] =	vst v63  }
0x6e: {  	_ =	swait.ge [sflag:s26], $0x2000  }
.Ltmp1:
0x6f: {  	[sflag:s26] =	ssyncset.done $0x0;
	(pc) =	sbr.rel @p0 .LBB2_2-.Ltmp1, $4  }
0x70: {  	[sflag:s26] =	ssyncadd.s32 $0xFFFFE000  }
0x71: {  	[spmem:s4] =	stream.indirect.scatter.add.f32 [tilespmem:s28], [sflag:$0x2], $0x10, s29, s29, $0xb8;
	[tilespmem:$0xF100] =	vst v63  }
0x72: {  	_ =	swait.ge [sflag:s26], $0x800  }
0x73: {  	[sflag:s26] =	ssyncset.done $0x0  }
.LBB2_3:
0x74: {  	[sflag:s26] =	ssyncadd.s32 $0xFFFFF800  }
0x75: {  	[bflag:$0x0] =	sbarrier.arrive $0xFFFF  }
0x76: {  	s9 =	rddreg [dreg:$0x8]  }
0x77: {  	[hbm:s9], [sflag:s10] =	dma.local [spmem:s2], $0x1400  }
0x78: {  	s1 =	sadd.s32 $0x1, s1;
	_ =	swait.ge [sflag:s26], $0x1400  }
0x79: {  	p0 =	sne.s32 s1, s15;
	[sflag:s26] =	ssyncset.done $0x0  }
.Ltmp2:
0x7a: {  	[sflag:s26] =	ssyncadd.s32 $0xFFFFEC00;
	(pc) =	sbr.rel @p0 .LBB2_1-.Ltmp2, $4  }
0x7b: {  	[hbm:s14], [sflag:s10] =	dma.local [spmem:s8], $0x500  }
0x7c: {  	_ =	swait.ge [sflag:s26], $0x500  }
0x7d: {  	[sflag:s26] =	ssyncset.done $0x0  }
0x7e: {  	[sflag:s26] =	ssyncadd.s32 $0xFFFFFB00  }
0x7f: {  	_ =	sfence.sel $0x180000  }
0x80: {  	[bflag:$0x0] =	sbarrier.arrive $0xFFFF  }
0x81: {  	_ =	strace $0x90000047  }
0x82: {  	s0 =	stileid.u32;
	[bflag:$0x2] =	sbarrier.arrive $0xFFFF  }
0x83: {  	p0 =	sne.s32 s0, $0x0;
	s0 =	rddreg [dreg:$0x4]  }
0x84: {  	s0 =	sadd.s32 @!p0 $0x100000, s0  }
0x85: {  	[sflag:s0] =	ssyncadd.tile.s32 @!p0 $0x1;
	_ =	shalt  }
.Lfunc_end2:
_tile_overlayer_lowered:
.L_overlay_start_2:
0x86: {  	(tag) =	ssettag $0x2  }
0x87: {  	s0 =	rddreg [dreg:$0x0];
	s2 =	stileid.u32  }
0x88: {  	s1 =	rddreg [dreg:$0x1];
	p0 =	sne.s32 s2, $0x0  }
0x89: {  	s3 =	rddreg [dreg:$0x2];
	[bflag:$0x3] =	sbarrier.arrive $0xFFFF;
	s2 =	simm.s32 @!p0 $0x1C02  }
0x8a: {  	[timem:s3], [sflag:s2] =	dma.local @!p0 [hbm:s0], s1  }
0x8b: {  	s0 =	simm.s32 @!p0 $0x2  }
0x8c: {  	_ =	swait.ge @!p0 [sflag:s0], s1  }
0x8d: {  	s1 =	ssub.s32 @!p0 $0x0, s1;
	[sflag:s0] =	ssyncset.done @!p0 $0x0  }
0x8e: {  	[sflag:s0] =	ssyncadd.s32 @!p0 s1  }
0x8f: {  	[bflag:$0x3] =	sbarrier.arrive $0xFFFF  }
0x90: {  	_ =	shalt  }

</sc_bundles>
